<compile_context>
chip_gen: v7x
topology: tpu7x:2x2x1
jax: 0.10.2.dev20260603
libtpu: 0.0.44.dev20260713+nightly
codegen_flags: <defaults>
</compile_context>

<pallas_src>
import functools
import math

import jax
import jax.numpy as jnp
from jax import lax
from jax.experimental import pallas as pl
from jax.experimental.pallas import tpu as pltpu
from jax.experimental.pallas import tpu_sc as plsc

D_MODEL_K = 64
VOCAB_K = 1_000_000
SCALE = math.sqrt(D_MODEL_K)

NC = 2
NS = 16
NW = NC * NS

SEQ = 200
BATCH = 4096
B_TOTAL = BATCH * SEQ
B_PER_W = B_TOTAL // NW
CHUNK = 256
PITCH = CHUNK + 1
BLOCKS_PER_S = BATCH // CHUNK
NCHUNK = B_PER_W // CHUNK


@functools.partial(
    pl.kernel,
    out_type=jax.ShapeDtypeStruct((SEQ, 8, BATCH // 128, 8, 128), jnp.float32),
    mesh=plsc.VectorSubcoreMesh(core_axis_name="c", subcore_axis_name="s"),
    compiler_params=pltpu.CompilerParams(
        use_tc_tiling_on_sc=False, needs_layout_passes=False
    ),
    scratch_types=[
        pltpu.VMEM((B_PER_W,), jnp.int32),
        pltpu.VMEM((CHUNK, D_MODEL_K), jnp.float32),
        pltpu.VMEM((CHUNK, D_MODEL_K), jnp.float32),
        pltpu.VMEM((8, 8, PITCH), jnp.float32),
        pltpu.VMEM((8, 8, PITCH), jnp.float32),
        pltpu.SemaphoreType.DMA((2,)),
        pltpu.SemaphoreType.DMA((2,)),
    ],
)
def _emb_lookup(table_hbm, x_hbm, out_hbm, idx_v, rows_a, rows_b,
                out_a, out_b, gsem, osem):
    wid = lax.axis_index("s") * NC + lax.axis_index("c")
    base_tok = wid * B_PER_W
    base_c = wid * NCHUNK
    rows_bufs = (rows_a, rows_b)
    out_bufs = (out_a, out_b)

    pltpu.sync_copy(x_hbm.at[pl.ds(base_tok, B_PER_W)], idx_v)

    def issue_gather(i, X):
        pltpu.async_copy(
            table_hbm.at[idx_v.at[pl.ds(i * CHUNK, CHUNK)]],
            rows_bufs[X],
            gsem.at[X],
        )

    def wait_gather(X):
        pltpu.make_async_copy(
            table_hbm.at[pl.ds(0, CHUNK)], rows_bufs[X], gsem.at[X]
        ).wait()

    def issue_out(i, X):
        c = base_c + i
        s = c // BLOCKS_PER_S
        bc0 = (c % BLOCKS_PER_S) * (CHUNK // 128)
        for bcg in range(CHUNK // 128):
            pltpu.async_copy(
                out_bufs[X].at[:, :, pl.ds(bcg * 128, 128)],
                out_hbm.at[s, :, bc0 + bcg, :, :],
                osem.at[X],
            )

    def wait_out(X):
        for _ in range(CHUNK // 128):
            pltpu.make_async_copy(
                out_bufs[X].at[:, :, pl.ds(0, 128)],
                out_hbm.at[0, :, 0, :, :],
                osem.at[X],
            ).wait()

    def transpose_scale(X):
        rows, outv = rows_bufs[X], out_bufs[X]
        lane = lax.iota(jnp.int32, 16)

        @plsc.parallel_loop(0, CHUNK, 1, unroll=4)
        def _(t):
            col = jnp.full((16,), t, jnp.int32)
            for d0 in range(0, D_MODEL_K, 16):
                vals = rows[t, pl.ds(d0, 16)] * SCALE
                dr = lax.shift_right_logical(d0 + lane, 3)
                di = lax.bitwise_and(d0 + lane, jnp.int32(7))
                plsc.store_scatter(outv, [dr, di, col], vals)

    issue_gather(0, 0)

    def body(j, carry):
        i = 2 * j
        issue_gather(i + 1, 1)
        wait_gather(0)

        @pl.when(j >= 1)
        def _():
            wait_out(0)

        transpose_scale(0)
        issue_out(i, 0)

        @pl.when(j < NCHUNK // 2 - 1)
        def _():
            issue_gather(i + 2, 0)

        wait_gather(1)

        @pl.when(j >= 1)
        def _():
            wait_out(1)

        transpose_scale(1)
        issue_out(i + 1, 1)
        return carry

    lax.fori_loop(0, NCHUNK // 2, body, 0)
    wait_out(0)
    wait_out(1)


def kernel(x, table):
    xf = x.T.reshape(-1).astype(jnp.int32)
    out5 = _emb_lookup(table, xf)
    return jnp.transpose(out5, (2, 4, 0, 1, 3)).reshape(BATCH, SEQ, D_MODEL_K)

# --- scband reference (transcript-rebuilt; emitter-appended) ---
"""Pipeline reference for scband-input-embeddings-257698037932 (READ-ONLY COPY).

The authoritative reference and input builder live on the scoring server;
editing this copy changes nothing except your own understanding.
"""

import jax, jax.numpy as jnp
import numpy as np
import math

D_MODEL = 64
VOCAB_SIZE = 1000000

def setup_inputs(seed: int = 0) -> dict:
    key = jax.random.key(seed)
    k1, k2 = jax.random.split(key)
    x = jax.random.randint(k1, (4096, 200), 0, VOCAB_SIZE, dtype=jnp.int64) if jax.config.jax_enable_x64 else jax.random.randint(k1, (4096, 200), 0, VOCAB_SIZE, dtype=jnp.int32)
    table = jax.random.normal(k2, (VOCAB_SIZE, D_MODEL), dtype=jnp.float32)
    return {"x": x, "table": table}

def reference(x, table):
    # nn.Embedding lookup followed by sqrt(d_model) scaling
    emb = jnp.take(table, x, axis=0)
    return emb * math.sqrt(D_MODEL)

if __name__ == "__main__":
    import jax
    _d = setup_inputs()
    print(jax.jit(kernel)(*tuple(_d.values())))

</pallas_src>

<mosaic_0001>
#map = affine_map<(d0, d1) -> (0, 0)>
#map1 = affine_map<(d0, d1) -> (0)>
#map2 = affine_map<(d0, d1) -> (0, 0, 0, 0, 0)>
module attributes {stable_mosaic.version = 14 : i64} {
  func.func @_emb_lookup(%arg0: i32, %arg1: i32, %arg2: memref<1000000x64xf32, #tpu.memory_space<hbm>>, %arg3: memref<819200xi32, #tpu.memory_space<hbm>>, %arg4: memref<200x8x32x8x128xf32, #tpu.memory_space<hbm>>, %arg5: memref<25600xi32, #tpu.memory_space<vmem>>, %arg6: memref<256x64xf32, #tpu.memory_space<vmem>>, %arg7: memref<256x64xf32, #tpu.memory_space<vmem>>, %arg8: memref<8x8x257xf32, #tpu.memory_space<vmem>>, %arg9: memref<8x8x257xf32, #tpu.memory_space<vmem>>, %arg10: memref<2x!tpu.dma_semaphore, #tpu.memory_space<semaphore_mem>>, %arg11: memref<2x!tpu.dma_semaphore, #tpu.memory_space<semaphore_mem>>) attributes {dimension_semantics = [#tpu.dimension_semantics<core_parallel>, #tpu.dimension_semantics<subcore_parallel>], iteration_bounds = array<i64: 2, 16>, scalar_prefetch = 0 : i64, scratch_operands = 7 : i64, tpu.core_type = #tpu.core_type<sc_vector_subcore>, window_params = [{transform_indices = #map}, {transform_indices = #map1}, {transform_indices = #map2}]} {
    %mul3A = arith.constant 2 : i32
    %mul3A_0 = arith.muli %arg1, %mul3A : i32
    %add3A = arith.addi %mul3A_0, %arg0 : i32
    %mul3A_1 = arith.constant 25600 : i32
    %mul3A_2 = arith.muli %add3A, %mul3A_1 : i32
    %mul3A_3 = arith.constant 100 : i32
    %mul3A_4 = arith.muli %add3A, %mul3A_3 : i32
    "tpu.region"() ({
      %run_scoped3A = tpu.sem_alloc : memref<!tpu.dma_semaphore, #tpu.memory_space<semaphore_mem>>
      %dma_start3A_108 = tpu.memref_slice %arg3[%mul3A_2] : memref<819200xi32, #tpu.memory_space<hbm>> -> memref<25600xi32, #tpu.memory_space<hbm>>
      %dma_start3A_109 = tpu.memref_slice %arg3[%mul3A_2] : memref<819200xi32, #tpu.memory_space<hbm>> -> memref<25600xi32, #tpu.memory_space<hbm>>
      tpu.enqueue_dma source(%dma_start3A_109 : memref<25600xi32, #tpu.memory_space<hbm>>) target(%arg5 : memref<25600xi32, #tpu.memory_space<vmem>>) target_semaphore(%run_scoped3A : memref<!tpu.dma_semaphore, #tpu.memory_space<semaphore_mem>>)
      %dma_wait3A_110 = tpu.memref_slice %arg3[%mul3A_2] : memref<819200xi32, #tpu.memory_space<hbm>> -> memref<25600xi32, #tpu.memory_space<hbm>>
      %dma_wait3A_111 = tpu.memref_slice %arg3[%mul3A_2] : memref<819200xi32, #tpu.memory_space<hbm>> -> memref<25600xi32, #tpu.memory_space<hbm>>
      tpu.wait_dma2 semaphore(%run_scoped3A : memref<!tpu.dma_semaphore, #tpu.memory_space<semaphore_mem>>) src(%dma_wait3A_111 : memref<25600xi32, #tpu.memory_space<hbm>>) dst(%arg5 : memref<25600xi32, #tpu.memory_space<vmem>>)
      tpu.yield
    }) : () -> ()
    %dma_start3A = arith.constant 0 : i32
    %dma_start3A_5 = arith.constant 0 : i32
    %dma_start3A_6 = tpu.memref_slice %arg5[%dma_start3A_5] : memref<25600xi32, #tpu.memory_space<vmem>> -> memref<256xi32, #tpu.memory_space<vmem>>
    %dma_start3A_7 = arith.constant 0 : i32
    %dma_start3A_8 = arith.constant 0 : i32
    %dma_start3A_9 = tpu.memref_slice %arg2[%dma_start3A_7, %dma_start3A_8] : memref<1000000x64xf32, #tpu.memory_space<hbm>> -> memref<1000000x64xf32, #tpu.memory_space<hbm>>
    %dma_start3A_10 = tpu.memref_slice %arg10[%dma_start3A] : memref<2x!tpu.dma_semaphore, #tpu.memory_space<semaphore_mem>> -> memref<1x!tpu.dma_semaphore, #tpu.memory_space<semaphore_mem>>
    %dma_start3A_11 = tpu.memref_squeeze %dma_start3A_10 : memref<1x!tpu.dma_semaphore, #tpu.memory_space<semaphore_mem>> -> memref<!tpu.dma_semaphore, #tpu.memory_space<semaphore_mem>>
    tpu.enqueue_indirect_dma source(%dma_start3A_9 : memref<1000000x64xf32, #tpu.memory_space<hbm>>) target(%arg6 : memref<256x64xf32, #tpu.memory_space<vmem>>) offsets(%dma_start3A_6 : memref<256xi32, #tpu.memory_space<vmem>>) semaphore(%dma_start3A_11 : memref<!tpu.dma_semaphore, #tpu.memory_space<semaphore_mem>>)
    %scan3A = arith.constant 0 : i32
    %scan3A_12 = arith.constant 0 : i32
    %scan3A_13 = arith.constant 50 : i32
    %scan3A_14 = arith.addi %scan3A_12, %scan3A_13 : i32
    %scan3A_15 = arith.constant 1 : i32
    scf.for %scan3A_108 = %scan3A_12 to %scan3A_14 step %scan3A_15  : i32 {
      %mul3A_109 = arith.constant 2 : i32
      %mul3A_110 = arith.muli %mul3A_109, %scan3A_108 : i32
      %add3A_111 = arith.constant 1 : i32
      %add3A_112 = arith.addi %mul3A_110, %add3A_111 : i32
      %mul3A_113 = arith.constant 256 : i32
      %mul3A_114 = arith.muli %add3A_112, %mul3A_113 : i32
      %dma_start3A_115 = arith.constant 1 : i32
      %dma_start3A_116 = tpu.memref_slice %arg5[%mul3A_114] : memref<25600xi32, #tpu.memory_space<vmem>> -> memref<256xi32, #tpu.memory_space<vmem>>
      %dma_start3A_117 = arith.constant 0 : i32
      %dma_start3A_118 = arith.constant 0 : i32
      %dma_start3A_119 = tpu.memref_slice %arg2[%dma_start3A_117, %dma_start3A_118] : memref<1000000x64xf32, #tpu.memory_space<hbm>> -> memref<1000000x64xf32, #tpu.memory_space<hbm>>
      %dma_start3A_120 = tpu.memref_slice %arg10[%dma_start3A_115] : memref<2x!tpu.dma_semaphore, #tpu.memory_space<semaphore_mem>> -> memref<1x!tpu.dma_semaphore, #tpu.memory_space<semaphore_mem>>
      %dma_start3A_121 = tpu.memref_squeeze %dma_start3A_120 : memref<1x!tpu.dma_semaphore, #tpu.memory_space<semaphore_mem>> -> memref<!tpu.dma_semaphore, #tpu.memory_space<semaphore_mem>>
      tpu.enqueue_indirect_dma source(%dma_start3A_119 : memref<1000000x64xf32, #tpu.memory_space<hbm>>) target(%arg7 : memref<256x64xf32, #tpu.memory_space<vmem>>) offsets(%dma_start3A_116 : memref<256xi32, #tpu.memory_space<vmem>>) semaphore(%dma_start3A_121 : memref<!tpu.dma_semaphore, #tpu.memory_space<semaphore_mem>>)
      %dma_wait3A_122 = arith.constant 0 : i32
      %dma_wait3A_123 = arith.constant 0 : i32
      %dma_wait3A_124 = arith.constant 0 : i32
      %dma_wait3A_125 = tpu.memref_slice %arg2[%dma_wait3A_123, %dma_wait3A_124] : memref<1000000x64xf32, #tpu.memory_space<hbm>> -> memref<256x64xf32, #tpu.memory_space<hbm>>
      %dma_wait3A_126 = tpu.memref_slice %arg10[%dma_wait3A_122] : memref<2x!tpu.dma_semaphore, #tpu.memory_space<semaphore_mem>> -> memref<1x!tpu.dma_semaphore, #tpu.memory_space<semaphore_mem>>
      %dma_wait3A_127 = tpu.memref_squeeze %dma_wait3A_126 : memref<1x!tpu.dma_semaphore, #tpu.memory_space<semaphore_mem>> -> memref<!tpu.dma_semaphore, #tpu.memory_space<semaphore_mem>>
      %dma_wait3A_128 = arith.constant 0 : i32
      %dma_wait3A_129 = arith.constant 0 : i32
      %dma_wait3A_130 = tpu.memref_slice %arg2[%dma_wait3A_128, %dma_wait3A_129] : memref<1000000x64xf32, #tpu.memory_space<hbm>> -> memref<256x64xf32, #tpu.memory_space<hbm>>
      tpu.wait_dma2 semaphore(%dma_wait3A_127 : memref<!tpu.dma_semaphore, #tpu.memory_space<semaphore_mem>>) src(%dma_wait3A_130 : memref<256x64xf32, #tpu.memory_space<hbm>>) dst(%arg6 : memref<256x64xf32, #tpu.memory_space<vmem>>)
      %ge3A = arith.constant 1 : i32
      %ge3A_131 = arith.cmpi sge, %scan3A_108, %ge3A : i32
      %convert_element_type3A = arith.extui %ge3A_131 : i1 to i32
      %cond3A = arith.constant 0 : i32
      %cond3A_132 = arith.cmpi ne, %convert_element_type3A, %cond3A : i32
      scf.if %cond3A_132 {
        %dma_wait3A_328 = arith.constant 0 : i32
        %dma_wait3A_329 = arith.constant 0 : i32
        %dma_wait3A_330 = arith.constant 0 : i32
        %dma_wait3A_331 = arith.constant 0 : i32
        %dma_wait3A_332 = arith.constant 0 : i32
        %dma_wait3A_333 = arith.constant 0 : i32
        %dma_wait3A_334 = tpu.memref_slice %arg8[%dma_wait3A_331, %dma_wait3A_332, %dma_wait3A_333] : memref<8x8x257xf32, #tpu.memory_space<vmem>> -> memref<8x8x128xf32, #tpu.memory_space<vmem>>
        %dma_wait3A_335 = arith.constant 0 : i32
        %dma_wait3A_336 = arith.constant 0 : i32
        %dma_wait3A_337 = arith.constant 0 : i32
        %dma_wait3A_338 = tpu.memref_slice %arg4[%dma_wait3A_328, %dma_wait3A_335, %dma_wait3A_329, %dma_wait3A_336, %dma_wait3A_337] : memref<200x8x32x8x128xf32, #tpu.memory_space<hbm>> -> memref<1x8x1x8x128xf32, #tpu.memory_space<hbm>>
        %dma_wait3A_339 = tpu.memref_squeeze %dma_wait3A_338 : memref<1x8x1x8x128xf32, #tpu.memory_space<hbm>> -> memref<8x8x128xf32, #tpu.memory_space<hbm>>
        %dma_wait3A_340 = tpu.memref_slice %arg11[%dma_wait3A_330] : memref<2x!tpu.dma_semaphore, #tpu.memory_space<semaphore_mem>> -> memref<1x!tpu.dma_semaphore, #tpu.memory_space<semaphore_mem>>
        %dma_wait3A_341 = tpu.memref_squeeze %dma_wait3A_340 : memref<1x!tpu.dma_semaphore, #tpu.memory_space<semaphore_mem>> -> memref<!tpu.dma_semaphore, #tpu.memory_space<semaphore_mem>>
        %dma_wait3A_342 = arith.constant 0 : i32
        %dma_wait3A_343 = arith.constant 0 : i32
        %dma_wait3A_344 = arith.constant 0 : i32
        %dma_wait3A_345 = tpu.memref_slice %arg4[%dma_wait3A_328, %dma_wait3A_342, %dma_wait3A_329, %dma_wait3A_343, %dma_wait3A_344] : memref<200x8x32x8x128xf32, #tpu.memory_space<hbm>> -> memref<1x8x1x8x128xf32, #tpu.memory_space<hbm>>
        %dma_wait3A_346 = tpu.memref_squeeze %dma_wait3A_345 : memref<1x8x1x8x128xf32, #tpu.memory_space<hbm>> -> memref<8x8x128xf32, #tpu.memory_space<hbm>>
        %dma_wait3A_347 = arith.constant 0 : i32
        %dma_wait3A_348 = arith.constant 0 : i32
        %dma_wait3A_349 = arith.constant 0 : i32
        %dma_wait3A_350 = tpu.memref_slice %arg8[%dma_wait3A_347, %dma_wait3A_348, %dma_wait3A_349] : memref<8x8x257xf32, #tpu.memory_space<vmem>> -> memref<8x8x128xf32, #tpu.memory_space<vmem>>
        tpu.wait_dma2 semaphore(%dma_wait3A_341 : memref<!tpu.dma_semaphore, #tpu.memory_space<semaphore_mem>>) src(%dma_wait3A_350 : memref<8x8x128xf32, #tpu.memory_space<vmem>>) dst(%dma_wait3A_346 : memref<8x8x128xf32, #tpu.memory_space<hbm>>)
        %dma_wait3A_351 = arith.constant 0 : i32
        %dma_wait3A_352 = arith.constant 0 : i32
        %dma_wait3A_353 = arith.constant 0 : i32
        %dma_wait3A_354 = arith.constant 0 : i32
        %dma_wait3A_355 = arith.constant 0 : i32
        %dma_wait3A_356 = arith.constant 0 : i32
        %dma_wait3A_357 = tpu.memref_slice %arg8[%dma_wait3A_354, %dma_wait3A_355, %dma_wait3A_356] : memref<8x8x257xf32, #tpu.memory_space<vmem>> -> memref<8x8x128xf32, #tpu.memory_space<vmem>>
        %dma_wait3A_358 = arith.constant 0 : i32
        %dma_wait3A_359 = arith.constant 0 : i32
        %dma_wait3A_360 = arith.constant 0 : i32
        %dma_wait3A_361 = tpu.memref_slice %arg4[%dma_wait3A_351, %dma_wait3A_358, %dma_wait3A_352, %dma_wait3A_359, %dma_wait3A_360] : memref<200x8x32x8x128xf32, #tpu.memory_space<hbm>> -> memref<1x8x1x8x128xf32, #tpu.memory_space<hbm>>
        %dma_wait3A_362 = tpu.memref_squeeze %dma_wait3A_361 : memref<1x8x1x8x128xf32, #tpu.memory_space<hbm>> -> memref<8x8x128xf32, #tpu.memory_space<hbm>>
        %dma_wait3A_363 = tpu.memref_slice %arg11[%dma_wait3A_353] : memref<2x!tpu.dma_semaphore, #tpu.memory_space<semaphore_mem>> -> memref<1x!tpu.dma_semaphore, #tpu.memory_space<semaphore_mem>>
        %dma_wait3A_364 = tpu.memref_squeeze %dma_wait3A_363 : memref<1x!tpu.dma_semaphore, #tpu.memory_space<semaphore_mem>> -> memref<!tpu.dma_semaphore, #tpu.memory_space<semaphore_mem>>
        %dma_wait3A_365 = arith.constant 0 : i32
        %dma_wait3A_366 = arith.constant 0 : i32
        %dma_wait3A_367 = arith.constant 0 : i32
        %dma_wait3A_368 = tpu.memref_slice %arg4[%dma_wait3A_351, %dma_wait3A_365, %dma_wait3A_352, %dma_wait3A_366, %dma_wait3A_367] : memref<200x8x32x8x128xf32, #tpu.memory_space<hbm>> -> memref<1x8x1x8x128xf32, #tpu.memory_space<hbm>>
        %dma_wait3A_369 = tpu.memref_squeeze %dma_wait3A_368 : memref<1x8x1x8x128xf32, #tpu.memory_space<hbm>> -> memref<8x8x128xf32, #tpu.memory_space<hbm>>
        %dma_wait3A_370 = arith.constant 0 : i32
        %dma_wait3A_371 = arith.constant 0 : i32
        %dma_wait3A_372 = arith.constant 0 : i32
        %dma_wait3A_373 = tpu.memref_slice %arg8[%dma_wait3A_370, %dma_wait3A_371, %dma_wait3A_372] : memref<8x8x257xf32, #tpu.memory_space<vmem>> -> memref<8x8x128xf32, #tpu.memory_space<vmem>>
        tpu.wait_dma2 semaphore(%dma_wait3A_364 : memref<!tpu.dma_semaphore, #tpu.memory_space<semaphore_mem>>) src(%dma_wait3A_373 : memref<8x8x128xf32, #tpu.memory_space<vmem>>) dst(%dma_wait3A_369 : memref<8x8x128xf32, #tpu.memory_space<hbm>>)
      } else {
      }
      %iota3A = tpu.iota {dimensions = array<i32: 0>} : vector<16xi32>
      %parallel_loop3A = arith.constant 0 : i32
      %parallel_loop3A_133 = arith.constant 256 : i32
      %parallel_loop3A_134 = arith.constant 1 : i32
      scf.for %parallel_loop3A_328 = %parallel_loop3A to %parallel_loop3A_133 step %parallel_loop3A_134  : i32 {
        %parallel_loop3A_329 = vector.broadcast %parallel_loop3A_328 : i32 to vector<16xi32>
        %parallel_loop3A_330 = arith.index_cast %parallel_loop3A_328 : i32 to index
        %parallel_loop3A_331 = arith.constant 0 : index
        %parallel_loop3A_332 = tpu.vector_load %arg6[%parallel_loop3A_330, %parallel_loop3A_331] {strides = array<i32>} : memref<256x64xf32, #tpu.memory_space<vmem>>, vector<16xf32>,
        %parallel_loop3A_333 = arith.constant 8.000000e+00 : f32
        %parallel_loop3A_334 = vector.broadcast %parallel_loop3A_333 : f32 to vector<16xf32>
        %parallel_loop3A_335 = arith.mulf %parallel_loop3A_332, %parallel_loop3A_334 : vector<16xf32>
        %parallel_loop3A_336 = arith.constant 0 : i32
        %parallel_loop3A_337 = vector.broadcast %parallel_loop3A_336 : i32 to vector<16xi32>
        %parallel_loop3A_338 = arith.addi %parallel_loop3A_337, %iota3A : vector<16xi32>
        %parallel_loop3A_339 = arith.constant 3 : i32
        %parallel_loop3A_340 = vector.broadcast %parallel_loop3A_339 : i32 to vector<16xi32>
        %parallel_loop3A_341 = arith.shrui %parallel_loop3A_338, %parallel_loop3A_340 : vector<16xi32>
        %parallel_loop3A_342 = arith.constant 0 : i32
        %parallel_loop3A_343 = vector.broadcast %parallel_loop3A_342 : i32 to vector<16xi32>
        %parallel_loop3A_344 = arith.addi %parallel_loop3A_343, %iota3A : vector<16xi32>
        %parallel_loop3A_345 = arith.constant 7 : i32
        %parallel_loop3A_346 = vector.broadcast %parallel_loop3A_345 : i32 to vector<16xi32>
        %parallel_loop3A_347 = arith.andi %parallel_loop3A_344, %parallel_loop3A_346 : vector<16xi32>
        tpu.vector_store_idx %arg8[%parallel_loop3A_341, %parallel_loop3A_347, %parallel_loop3A_329], %parallel_loop3A_335 : memref<8x8x257xf32, #tpu.memory_space<vmem>>[vector<16xi32>, vector<16xi32>, vector<16xi32>], vector<16xf32>,
        %parallel_loop3A_348 = arith.index_cast %parallel_loop3A_328 : i32 to index
        %parallel_loop3A_349 = arith.constant 16 : index
        %parallel_loop3A_350 = tpu.vector_load %arg6[%parallel_loop3A_348, %parallel_loop3A_349] {strides = array<i32>} : memref<256x64xf32, #tpu.memory_space<vmem>>, vector<16xf32>,
        %parallel_loop3A_351 = arith.constant 8.000000e+00 : f32
        %parallel_loop3A_352 = vector.broadcast %parallel_loop3A_351 : f32 to vector<16xf32>
        %parallel_loop3A_353 = arith.mulf %parallel_loop3A_350, %parallel_loop3A_352 : vector<16xf32>
        %parallel_loop3A_354 = arith.constant 16 : i32
        %parallel_loop3A_355 = vector.broadcast %parallel_loop3A_354 : i32 to vector<16xi32>
        %parallel_loop3A_356 = arith.addi %parallel_loop3A_355, %iota3A : vector<16xi32>
        %parallel_loop3A_357 = arith.constant 3 : i32
        %parallel_loop3A_358 = vector.broadcast %parallel_loop3A_357 : i32 to vector<16xi32>
        %parallel_loop3A_359 = arith.shrui %parallel_loop3A_356, %parallel_loop3A_358 : vector<16xi32>
        %parallel_loop3A_360 = arith.constant 16 : i32
        %parallel_loop3A_361 = vector.broadcast %parallel_loop3A_360 : i32 to vector<16xi32>
        %parallel_loop3A_362 = arith.addi %parallel_loop3A_361, %iota3A : vector<16xi32>
        %parallel_loop3A_363 = arith.constant 7 : i32
        %parallel_loop3A_364 = vector.broadcast %parallel_loop3A_363 : i32 to vector<16xi32>
        %parallel_loop3A_365 = arith.andi %parallel_loop3A_362, %parallel_loop3A_364 : vector<16xi32>
        tpu.vector_store_idx %arg8[%parallel_loop3A_359, %parallel_loop3A_365, %parallel_loop3A_329], %parallel_loop3A_353 : memref<8x8x257xf32, #tpu.memory_space<vmem>>[vector<16xi32>, vector<16xi32>, vector<16xi32>], vector<16xf32>,
        %parallel_loop3A_366 = arith.index_cast %parallel_loop3A_328 : i32 to index
        %parallel_loop3A_367 = arith.constant 32 : index
        %parallel_loop3A_368 = tpu.vector_load %arg6[%parallel_loop3A_366, %parallel_loop3A_367] {strides = array<i32>} : memref<256x64xf32, #tpu.memory_space<vmem>>, vector<16xf32>,
        %parallel_loop3A_369 = arith.constant 8.000000e+00 : f32
        %parallel_loop3A_370 = vector.broadcast %parallel_loop3A_369 : f32 to vector<16xf32>
        %parallel_loop3A_371 = arith.mulf %parallel_loop3A_368, %parallel_loop3A_370 : vector<16xf32>
        %parallel_loop3A_372 = arith.constant 32 : i32
        %parallel_loop3A_373 = vector.broadcast %parallel_loop3A_372 : i32 to vector<16xi32>
        %parallel_loop3A_374 = arith.addi %parallel_loop3A_373, %iota3A : vector<16xi32>
        %parallel_loop3A_375 = arith.constant 3 : i32
        %parallel_loop3A_376 = vector.broadcast %parallel_loop3A_375 : i32 to vector<16xi32>
        %parallel_loop3A_377 = arith.shrui %parallel_loop3A_374, %parallel_loop3A_376 : vector<16xi32>
        %parallel_loop3A_378 = arith.constant 32 : i32
        %parallel_loop3A_379 = vector.broadcast %parallel_loop3A_378 : i32 to vector<16xi32>
        %parallel_loop3A_380 = arith.addi %parallel_loop3A_379, %iota3A : vector<16xi32>
        %parallel_loop3A_381 = arith.constant 7 : i32
        %parallel_loop3A_382 = vector.broadcast %parallel_loop3A_381 : i32 to vector<16xi32>
        %parallel_loop3A_383 = arith.andi %parallel_loop3A_380, %parallel_loop3A_382 : vector<16xi32>
        tpu.vector_store_idx %arg8[%parallel_loop3A_377, %parallel_loop3A_383, %parallel_loop3A_329], %parallel_loop3A_371 : memref<8x8x257xf32, #tpu.memory_space<vmem>>[vector<16xi32>, vector<16xi32>, vector<16xi32>], vector<16xf32>,
        %parallel_loop3A_384 = arith.index_cast %parallel_loop3A_328 : i32 to index
        %parallel_loop3A_385 = arith.constant 48 : index
        %parallel_loop3A_386 = tpu.vector_load %arg6[%parallel_loop3A_384, %parallel_loop3A_385] {strides = array<i32>} : memref<256x64xf32, #tpu.memory_space<vmem>>, vector<16xf32>,
        %parallel_loop3A_387 = arith.constant 8.000000e+00 : f32
        %parallel_loop3A_388 = vector.broadcast %parallel_loop3A_387 : f32 to vector<16xf32>
        %parallel_loop3A_389 = arith.mulf %parallel_loop3A_386, %parallel_loop3A_388 : vector<16xf32>
        %parallel_loop3A_390 = arith.constant 48 : i32
        %parallel_loop3A_391 = vector.broadcast %parallel_loop3A_390 : i32 to vector<16xi32>
        %parallel_loop3A_392 = arith.addi %parallel_loop3A_391, %iota3A : vector<16xi32>
        %parallel_loop3A_393 = arith.constant 3 : i32
        %parallel_loop3A_394 = vector.broadcast %parallel_loop3A_393 : i32 to vector<16xi32>
        %parallel_loop3A_395 = arith.shrui %parallel_loop3A_392, %parallel_loop3A_394 : vector<16xi32>
        %parallel_loop3A_396 = arith.constant 48 : i32
        %parallel_loop3A_397 = vector.broadcast %parallel_loop3A_396 : i32 to vector<16xi32>
        %parallel_loop3A_398 = arith.addi %parallel_loop3A_397, %iota3A : vector<16xi32>
        %parallel_loop3A_399 = arith.constant 7 : i32
        %parallel_loop3A_400 = vector.broadcast %parallel_loop3A_399 : i32 to vector<16xi32>
        %parallel_loop3A_401 = arith.andi %parallel_loop3A_398, %parallel_loop3A_400 : vector<16xi32>
        tpu.vector_store_idx %arg8[%parallel_loop3A_395, %parallel_loop3A_401, %parallel_loop3A_329], %parallel_loop3A_389 : memref<8x8x257xf32, #tpu.memory_space<vmem>>[vector<16xi32>, vector<16xi32>, vector<16xi32>], vector<16xf32>,
      } {sc.loop_unroll_factor = 4 : i64, sc.parallel_access}
      %add3A_135 = arith.addi %mul3A_4, %mul3A_110 : i32
      %jit3A = arith.constant 16 : i32
      %div3A = arith.divsi %add3A_135, %jit3A : i32
      %sign3A = arith.constant 0 : i32
      %sign3A_136 = arith.cmpi sgt, %add3A_135, %sign3A : i32
      %sign3A_137 = arith.extui %sign3A_136 : i1 to i32
      %sign3A_138 = arith.constant 0 : i32
      %sign3A_139 = arith.cmpi slt, %add3A_135, %sign3A_138 : i32
      %sign3A_140 = arith.extui %sign3A_139 : i1 to i32
      %sign3A_141 = arith.subi %sign3A_137, %sign3A_140 : i32
      %sign3A_142 = arith.constant 0 : i32
      %sign3A_143 = arith.cmpi sgt, %jit3A, %sign3A_142 : i32
      %sign3A_144 = arith.extui %sign3A_143 : i1 to i32
      %sign3A_145 = arith.constant 0 : i32
      %sign3A_146 = arith.cmpi slt, %jit3A, %sign3A_145 : i32
      %sign3A_147 = arith.extui %sign3A_146 : i1 to i32
      %sign3A_148 = arith.subi %sign3A_144, %sign3A_147 : i32
      %ne3A = arith.cmpi ne, %sign3A_141, %sign3A_148 : i32
      %rem3A = arith.remsi %add3A_135, %jit3A : i32
      %ne3A_149 = arith.constant 0 : i32
      %ne3A_150 = arith.cmpi ne, %rem3A, %ne3A_149 : i32
      %and3A = arith.andi %ne3A, %ne3A_150 : i1
      %sub3A = arith.constant 1 : i32
      %sub3A_151 = arith.subi %div3A, %sub3A : i32
      %select_n3A = arith.select %and3A, %sub3A_151, %div3A : i32
      %jit3A_152 = arith.constant 16 : i32
      %eq3A = arith.constant 0 : i32
      %eq3A_153 = arith.cmpi eq, %jit3A_152, %eq3A : i32
      %jit3A_154 = arith.constant 1 : i32
      %select_n3A_155 = arith.select %eq3A_153, %jit3A_154, %jit3A_152 : i32
      %rem3A_156 = arith.remsi %add3A_135, %select_n3A_155 : i32
      %ne3A_157 = arith.constant 0 : i32
      %ne3A_158 = arith.cmpi ne, %rem3A_156, %ne3A_157 : i32
      %lt3A = arith.constant 0 : i32
      %lt3A_159 = arith.cmpi slt, %rem3A_156, %lt3A : i32
      %lt3A_160 = arith.constant 0 : i32
      %lt3A_161 = arith.cmpi slt, %select_n3A_155, %lt3A_160 : i32
      %ne3A_162 = arith.xori %lt3A_159, %lt3A_161 : i1
      %and3A_163 = arith.andi %ne3A_162, %ne3A_158 : i1
      %add3A_164 = arith.addi %rem3A_156, %select_n3A_155 : i32
      %select_n3A_165 = arith.select %and3A_163, %add3A_164, %rem3A_156 : i32
      %mul3A_166 = arith.constant 2 : i32
      %mul3A_167 = arith.muli %select_n3A_165, %mul3A_166 : i32
      %add3A_168 = arith.constant 0 : i32
      %add3A_169 = arith.addi %mul3A_167, %add3A_168 : i32
      %dma_start3A_170 = arith.constant 0 : i32
      %dma_start3A_171 = arith.constant 0 : i32
      %dma_start3A_172 = arith.constant 0 : i32
      %dma_start3A_173 = arith.constant 0 : i32
      %dma_start3A_174 = tpu.memref_slice %arg8[%dma_start3A_171, %dma_start3A_172, %dma_start3A_173] : memref<8x8x257xf32, #tpu.memory_space<vmem>> -> memref<8x8x128xf32, #tpu.memory_space<vmem>>
      %dma_start3A_175 = arith.constant 0 : i32
      %dma_start3A_176 = arith.constant 0 : i32
      %dma_start3A_177 = arith.constant 0 : i32
      %dma_start3A_178 = tpu.memref_slice %arg4[%select_n3A, %dma_start3A_175, %add3A_169, %dma_start3A_176, %dma_start3A_177] : memref<200x8x32x8x128xf32, #tpu.memory_space<hbm>> -> memref<1x8x1x8x128xf32, #tpu.memory_space<hbm>>
      %dma_start3A_179 = tpu.memref_squeeze %dma_start3A_178 : memref<1x8x1x8x128xf32, #tpu.memory_space<hbm>> -> memref<8x8x128xf32, #tpu.memory_space<hbm>>
      %dma_start3A_180 = tpu.memref_slice %arg11[%dma_start3A_170] : memref<2x!tpu.dma_semaphore, #tpu.memory_space<semaphore_mem>> -> memref<1x!tpu.dma_semaphore, #tpu.memory_space<semaphore_mem>>
      %dma_start3A_181 = tpu.memref_squeeze %dma_start3A_180 : memref<1x!tpu.dma_semaphore, #tpu.memory_space<semaphore_mem>> -> memref<!tpu.dma_semaphore, #tpu.memory_space<semaphore_mem>>
      %dma_start3A_182 = arith.constant 0 : i32
      %dma_start3A_183 = arith.constant 0 : i32
      %dma_start3A_184 = arith.constant 0 : i32
      %dma_start3A_185 = tpu.memref_slice %arg4[%select_n3A, %dma_start3A_182, %add3A_169, %dma_start3A_183, %dma_start3A_184] : memref<200x8x32x8x128xf32, #tpu.memory_space<hbm>> -> memref<1x8x1x8x128xf32, #tpu.memory_space<hbm>>
      %dma_start3A_186 = tpu.memref_squeeze %dma_start3A_185 : memref<1x8x1x8x128xf32, #tpu.memory_space<hbm>> -> memref<8x8x128xf32, #tpu.memory_space<hbm>>
      %dma_start3A_187 = arith.constant 0 : i32
      %dma_start3A_188 = arith.constant 0 : i32
      %dma_start3A_189 = arith.constant 0 : i32
      %dma_start3A_190 = tpu.memref_slice %arg8[%dma_start3A_187, %dma_start3A_188, %dma_start3A_189] : memref<8x8x257xf32, #tpu.memory_space<vmem>> -> memref<8x8x128xf32, #tpu.memory_space<vmem>>
      tpu.enqueue_dma source(%dma_start3A_190 : memref<8x8x128xf32, #tpu.memory_space<vmem>>) target(%dma_start3A_186 : memref<8x8x128xf32, #tpu.memory_space<hbm>>) target_semaphore(%dma_start3A_181 : memref<!tpu.dma_semaphore, #tpu.memory_space<semaphore_mem>>)
      %add3A_191 = arith.constant 1 : i32
      %add3A_192 = arith.addi %mul3A_167, %add3A_191 : i32
      %dma_start3A_193 = arith.constant 0 : i32
      %dma_start3A_194 = arith.constant 0 : i32
      %dma_start3A_195 = arith.constant 0 : i32
      %dma_start3A_196 = arith.constant 128 : i32
      %dma_start3A_197 = tpu.memref_slice %arg8[%dma_start3A_194, %dma_start3A_195, %dma_start3A_196] : memref<8x8x257xf32, #tpu.memory_space<vmem>> -> memref<8x8x128xf32, #tpu.memory_space<vmem>>
      %dma_start3A_198 = arith.constant 0 : i32
      %dma_start3A_199 = arith.constant 0 : i32
      %dma_start3A_200 = arith.constant 0 : i32
      %dma_start3A_201 = tpu.memref_slice %arg4[%select_n3A, %dma_start3A_198, %add3A_192, %dma_start3A_199, %dma_start3A_200] : memref<200x8x32x8x128xf32, #tpu.memory_space<hbm>> -> memref<1x8x1x8x128xf32, #tpu.memory_space<hbm>>
      %dma_start3A_202 = tpu.memref_squeeze %dma_start3A_201 : memref<1x8x1x8x128xf32, #tpu.memory_space<hbm>> -> memref<8x8x128xf32, #tpu.memory_space<hbm>>
      %dma_start3A_203 = tpu.memref_slice %arg11[%dma_start3A_193] : memref<2x!tpu.dma_semaphore, #tpu.memory_space<semaphore_mem>> -> memref<1x!tpu.dma_semaphore, #tpu.memory_space<semaphore_mem>>
      %dma_start3A_204 = tpu.memref_squeeze %dma_start3A_203 : memref<1x!tpu.dma_semaphore, #tpu.memory_space<semaphore_mem>> -> memref<!tpu.dma_semaphore, #tpu.memory_space<semaphore_mem>>
      %dma_start3A_205 = arith.constant 0 : i32
      %dma_start3A_206 = arith.constant 0 : i32
      %dma_start3A_207 = arith.constant 0 : i32
      %dma_start3A_208 = tpu.memref_slice %arg4[%select_n3A, %dma_start3A_205, %add3A_192, %dma_start3A_206, %dma_start3A_207] : memref<200x8x32x8x128xf32, #tpu.memory_space<hbm>> -> memref<1x8x1x8x128xf32, #tpu.memory_space<hbm>>
      %dma_start3A_209 = tpu.memref_squeeze %dma_start3A_208 : memref<1x8x1x8x128xf32, #tpu.memory_space<hbm>> -> memref<8x8x128xf32, #tpu.memory_space<hbm>>
      %dma_start3A_210 = arith.constant 0 : i32
      %dma_start3A_211 = arith.constant 0 : i32
      %dma_start3A_212 = arith.constant 128 : i32
      %dma_start3A_213 = tpu.memref_slice %arg8[%dma_start3A_210, %dma_start3A_211, %dma_start3A_212] : memref<8x8x257xf32, #tpu.memory_space<vmem>> -> memref<8x8x128xf32, #tpu.memory_space<vmem>>
      tpu.enqueue_dma source(%dma_start3A_213 : memref<8x8x128xf32, #tpu.memory_space<vmem>>) target(%dma_start3A_209 : memref<8x8x128xf32, #tpu.memory_space<hbm>>) target_semaphore(%dma_start3A_204 : memref<!tpu.dma_semaphore, #tpu.memory_space<semaphore_mem>>)
      %lt3A_214 = arith.constant 49 : i32
      %lt3A_215 = arith.cmpi slt, %scan3A_108, %lt3A_214 : i32
      %convert_element_type3A_216 = arith.extui %lt3A_215 : i1 to i32
      %cond3A_217 = arith.constant 0 : i32
      %cond3A_218 = arith.cmpi ne, %convert_element_type3A_216, %cond3A_217 : i32
      scf.if %cond3A_218 {
        %add3A_328 = arith.constant 2 : i32
        %add3A_329 = arith.addi %mul3A_110, %add3A_328 : i32
        %mul3A_330 = arith.constant 256 : i32
        %mul3A_331 = arith.muli %add3A_329, %mul3A_330 : i32
        %dma_start3A_332 = arith.constant 0 : i32
        %dma_start3A_333 = tpu.memref_slice %arg5[%mul3A_331] : memref<25600xi32, #tpu.memory_space<vmem>> -> memref<256xi32, #tpu.memory_space<vmem>>
        %dma_start3A_334 = arith.constant 0 : i32
        %dma_start3A_335 = arith.constant 0 : i32
        %dma_start3A_336 = tpu.memref_slice %arg2[%dma_start3A_334, %dma_start3A_335] : memref<1000000x64xf32, #tpu.memory_space<hbm>> -> memref<1000000x64xf32, #tpu.memory_space<hbm>>
        %dma_start3A_337 = tpu.memref_slice %arg10[%dma_start3A_332] : memref<2x!tpu.dma_semaphore, #tpu.memory_space<semaphore_mem>> -> memref<1x!tpu.dma_semaphore, #tpu.memory_space<semaphore_mem>>
        %dma_start3A_338 = tpu.memref_squeeze %dma_start3A_337 : memref<1x!tpu.dma_semaphore, #tpu.memory_space<semaphore_mem>> -> memref<!tpu.dma_semaphore, #tpu.memory_space<semaphore_mem>>
        tpu.enqueue_indirect_dma source(%dma_start3A_336 : memref<1000000x64xf32, #tpu.memory_space<hbm>>) target(%arg6 : memref<256x64xf32, #tpu.memory_space<vmem>>) offsets(%dma_start3A_333 : memref<256xi32, #tpu.memory_space<vmem>>) semaphore(%dma_start3A_338 : memref<!tpu.dma_semaphore, #tpu.memory_space<semaphore_mem>>)
      } else {
      }
      %dma_wait3A_219 = arith.constant 1 : i32
      %dma_wait3A_220 = arith.constant 0 : i32
      %dma_wait3A_221 = arith.constant 0 : i32
      %dma_wait3A_222 = tpu.memref_slice %arg2[%dma_wait3A_220, %dma_wait3A_221] : memref<1000000x64xf32, #tpu.memory_space<hbm>> -> memref<256x64xf32, #tpu.memory_space<hbm>>
      %dma_wait3A_223 = tpu.memref_slice %arg10[%dma_wait3A_219] : memref<2x!tpu.dma_semaphore, #tpu.memory_space<semaphore_mem>> -> memref<1x!tpu.dma_semaphore, #tpu.memory_space<semaphore_mem>>
      %dma_wait3A_224 = tpu.memref_squeeze %dma_wait3A_223 : memref<1x!tpu.dma_semaphore, #tpu.memory_space<semaphore_mem>> -> memref<!tpu.dma_semaphore, #tpu.memory_space<semaphore_mem>>
      %dma_wait3A_225 = arith.constant 0 : i32
      %dma_wait3A_226 = arith.constant 0 : i32
      %dma_wait3A_227 = tpu.memref_slice %arg2[%dma_wait3A_225, %dma_wait3A_226] : memref<1000000x64xf32, #tpu.memory_space<hbm>> -> memref<256x64xf32, #tpu.memory_space<hbm>>
      tpu.wait_dma2 semaphore(%dma_wait3A_224 : memref<!tpu.dma_semaphore, #tpu.memory_space<semaphore_mem>>) src(%dma_wait3A_227 : memref<256x64xf32, #tpu.memory_space<hbm>>) dst(%arg7 : memref<256x64xf32, #tpu.memory_space<vmem>>)
      %ge3A_228 = arith.constant 1 : i32
      %ge3A_229 = arith.cmpi sge, %scan3A_108, %ge3A_228 : i32
      %convert_element_type3A_230 = arith.extui %ge3A_229 : i1 to i32
      %cond3A_231 = arith.constant 0 : i32
      %cond3A_232 = arith.cmpi ne, %convert_element_type3A_230, %cond3A_231 : i32
      scf.if %cond3A_232 {
        %dma_wait3A_328 = arith.constant 0 : i32
        %dma_wait3A_329 = arith.constant 0 : i32
        %dma_wait3A_330 = arith.constant 1 : i32
        %dma_wait3A_331 = arith.constant 0 : i32
        %dma_wait3A_332 = arith.constant 0 : i32
        %dma_wait3A_333 = arith.constant 0 : i32
        %dma_wait3A_334 = tpu.memref_slice %arg9[%dma_wait3A_331, %dma_wait3A_332, %dma_wait3A_333] : memref<8x8x257xf32, #tpu.memory_space<vmem>> -> memref<8x8x128xf32, #tpu.memory_space<vmem>>
        %dma_wait3A_335 = arith.constant 0 : i32
        %dma_wait3A_336 = arith.constant 0 : i32
        %dma_wait3A_337 = arith.constant 0 : i32
        %dma_wait3A_338 = tpu.memref_slice %arg4[%dma_wait3A_328, %dma_wait3A_335, %dma_wait3A_329, %dma_wait3A_336, %dma_wait3A_337] : memref<200x8x32x8x128xf32, #tpu.memory_space<hbm>> -> memref<1x8x1x8x128xf32, #tpu.memory_space<hbm>>
        %dma_wait3A_339 = tpu.memref_squeeze %dma_wait3A_338 : memref<1x8x1x8x128xf32, #tpu.memory_space<hbm>> -> memref<8x8x128xf32, #tpu.memory_space<hbm>>
        %dma_wait3A_340 = tpu.memref_slice %arg11[%dma_wait3A_330] : memref<2x!tpu.dma_semaphore, #tpu.memory_space<semaphore_mem>> -> memref<1x!tpu.dma_semaphore, #tpu.memory_space<semaphore_mem>>
        %dma_wait3A_341 = tpu.memref_squeeze %dma_wait3A_340 : memref<1x!tpu.dma_semaphore, #tpu.memory_space<semaphore_mem>> -> memref<!tpu.dma_semaphore, #tpu.memory_space<semaphore_mem>>
        %dma_wait3A_342 = arith.constant 0 : i32
        %dma_wait3A_343 = arith.constant 0 : i32
        %dma_wait3A_344 = arith.constant 0 : i32
        %dma_wait3A_345 = tpu.memref_slice %arg4[%dma_wait3A_328, %dma_wait3A_342, %dma_wait3A_329, %dma_wait3A_343, %dma_wait3A_344] : memref<200x8x32x8x128xf32, #tpu.memory_space<hbm>> -> memref<1x8x1x8x128xf32, #tpu.memory_space<hbm>>
        %dma_wait3A_346 = tpu.memref_squeeze %dma_wait3A_345 : memref<1x8x1x8x128xf32, #tpu.memory_space<hbm>> -> memref<8x8x128xf32, #tpu.memory_space<hbm>>
        %dma_wait3A_347 = arith.constant 0 : i32
        %dma_wait3A_348 = arith.constant 0 : i32
        %dma_wait3A_349 = arith.constant 0 : i32
        %dma_wait3A_350 = tpu.memref_slice %arg9[%dma_wait3A_347, %dma_wait3A_348, %dma_wait3A_349] : memref<8x8x257xf32, #tpu.memory_space<vmem>> -> memref<8x8x128xf32, #tpu.memory_space<vmem>>
        tpu.wait_dma2 semaphore(%dma_wait3A_341 : memref<!tpu.dma_semaphore, #tpu.memory_space<semaphore_mem>>) src(%dma_wait3A_350 : memref<8x8x128xf32, #tpu.memory_space<vmem>>) dst(%dma_wait3A_346 : memref<8x8x128xf32, #tpu.memory_space<hbm>>)
        %dma_wait3A_351 = arith.constant 0 : i32
        %dma_wait3A_352 = arith.constant 0 : i32
        %dma_wait3A_353 = arith.constant 1 : i32
        %dma_wait3A_354 = arith.constant 0 : i32
        %dma_wait3A_355 = arith.constant 0 : i32
        %dma_wait3A_356 = arith.constant 0 : i32
        %dma_wait3A_357 = tpu.memref_slice %arg9[%dma_wait3A_354, %dma_wait3A_355, %dma_wait3A_356] : memref<8x8x257xf32, #tpu.memory_space<vmem>> -> memref<8x8x128xf32, #tpu.memory_space<vmem>>
        %dma_wait3A_358 = arith.constant 0 : i32
        %dma_wait3A_359 = arith.constant 0 : i32
        %dma_wait3A_360 = arith.constant 0 : i32
        %dma_wait3A_361 = tpu.memref_slice %arg4[%dma_wait3A_351, %dma_wait3A_358, %dma_wait3A_352, %dma_wait3A_359, %dma_wait3A_360] : memref<200x8x32x8x128xf32, #tpu.memory_space<hbm>> -> memref<1x8x1x8x128xf32, #tpu.memory_space<hbm>>
        %dma_wait3A_362 = tpu.memref_squeeze %dma_wait3A_361 : memref<1x8x1x8x128xf32, #tpu.memory_space<hbm>> -> memref<8x8x128xf32, #tpu.memory_space<hbm>>
        %dma_wait3A_363 = tpu.memref_slice %arg11[%dma_wait3A_353] : memref<2x!tpu.dma_semaphore, #tpu.memory_space<semaphore_mem>> -> memref<1x!tpu.dma_semaphore, #tpu.memory_space<semaphore_mem>>
        %dma_wait3A_364 = tpu.memref_squeeze %dma_wait3A_363 : memref<1x!tpu.dma_semaphore, #tpu.memory_space<semaphore_mem>> -> memref<!tpu.dma_semaphore, #tpu.memory_space<semaphore_mem>>
        %dma_wait3A_365 = arith.constant 0 : i32
        %dma_wait3A_366 = arith.constant 0 : i32
        %dma_wait3A_367 = arith.constant 0 : i32
        %dma_wait3A_368 = tpu.memref_slice %arg4[%dma_wait3A_351, %dma_wait3A_365, %dma_wait3A_352, %dma_wait3A_366, %dma_wait3A_367] : memref<200x8x32x8x128xf32, #tpu.memory_space<hbm>> -> memref<1x8x1x8x128xf32, #tpu.memory_space<hbm>>
        %dma_wait3A_369 = tpu.memref_squeeze %dma_wait3A_368 : memref<1x8x1x8x128xf32, #tpu.memory_space<hbm>> -> memref<8x8x128xf32, #tpu.memory_space<hbm>>
        %dma_wait3A_370 = arith.constant 0 : i32
        %dma_wait3A_371 = arith.constant 0 : i32
        %dma_wait3A_372 = arith.constant 0 : i32
        %dma_wait3A_373 = tpu.memref_slice %arg9[%dma_wait3A_370, %dma_wait3A_371, %dma_wait3A_372] : memref<8x8x257xf32, #tpu.memory_space<vmem>> -> memref<8x8x128xf32, #tpu.memory_space<vmem>>
        tpu.wait_dma2 semaphore(%dma_wait3A_364 : memref<!tpu.dma_semaphore, #tpu.memory_space<semaphore_mem>>) src(%dma_wait3A_373 : memref<8x8x128xf32, #tpu.memory_space<vmem>>) dst(%dma_wait3A_369 : memref<8x8x128xf32, #tpu.memory_space<hbm>>)
      } else {
      }
      %iota3A_233 = tpu.iota {dimensions = array<i32: 0>} : vector<16xi32>
      %parallel_loop3A_234 = arith.constant 0 : i32
      %parallel_loop3A_235 = arith.constant 256 : i32
      %parallel_loop3A_236 = arith.constant 1 : i32
      scf.for %parallel_loop3A_328 = %parallel_loop3A_234 to %parallel_loop3A_235 step %parallel_loop3A_236  : i32 {
        %parallel_loop3A_329 = vector.broadcast %parallel_loop3A_328 : i32 to vector<16xi32>
        %parallel_loop3A_330 = arith.index_cast %parallel_loop3A_328 : i32 to index
        %parallel_loop3A_331 = arith.constant 0 : index
        %parallel_loop3A_332 = tpu.vector_load %arg7[%parallel_loop3A_330, %parallel_loop3A_331] {strides = array<i32>} : memref<256x64xf32, #tpu.memory_space<vmem>>, vector<16xf32>,
        %parallel_loop3A_333 = arith.constant 8.000000e+00 : f32
        %parallel_loop3A_334 = vector.broadcast %parallel_loop3A_333 : f32 to vector<16xf32>
        %parallel_loop3A_335 = arith.mulf %parallel_loop3A_332, %parallel_loop3A_334 : vector<16xf32>
        %parallel_loop3A_336 = arith.constant 0 : i32
        %parallel_loop3A_337 = vector.broadcast %parallel_loop3A_336 : i32 to vector<16xi32>
        %parallel_loop3A_338 = arith.addi %parallel_loop3A_337, %iota3A_233 : vector<16xi32>
        %parallel_loop3A_339 = arith.constant 3 : i32
        %parallel_loop3A_340 = vector.broadcast %parallel_loop3A_339 : i32 to vector<16xi32>
        %parallel_loop3A_341 = arith.shrui %parallel_loop3A_338, %parallel_loop3A_340 : vector<16xi32>
        %parallel_loop3A_342 = arith.constant 0 : i32
        %parallel_loop3A_343 = vector.broadcast %parallel_loop3A_342 : i32 to vector<16xi32>
        %parallel_loop3A_344 = arith.addi %parallel_loop3A_343, %iota3A_233 : vector<16xi32>
        %parallel_loop3A_345 = arith.constant 7 : i32
        %parallel_loop3A_346 = vector.broadcast %parallel_loop3A_345 : i32 to vector<16xi32>
        %parallel_loop3A_347 = arith.andi %parallel_loop3A_344, %parallel_loop3A_346 : vector<16xi32>
        tpu.vector_store_idx %arg9[%parallel_loop3A_341, %parallel_loop3A_347, %parallel_loop3A_329], %parallel_loop3A_335 : memref<8x8x257xf32, #tpu.memory_space<vmem>>[vector<16xi32>, vector<16xi32>, vector<16xi32>], vector<16xf32>,
        %parallel_loop3A_348 = arith.index_cast %parallel_loop3A_328 : i32 to index
        %parallel_loop3A_349 = arith.constant 16 : index
        %parallel_loop3A_350 = tpu.vector_load %arg7[%parallel_loop3A_348, %parallel_loop3A_349] {strides = array<i32>} : memref<256x64xf32, #tpu.memory_space<vmem>>, vector<16xf32>,
        %parallel_loop3A_351 = arith.constant 8.000000e+00 : f32
        %parallel_loop3A_352 = vector.broadcast %parallel_loop3A_351 : f32 to vector<16xf32>
        %parallel_loop3A_353 = arith.mulf %parallel_loop3A_350, %parallel_loop3A_352 : vector<16xf32>
        %parallel_loop3A_354 = arith.constant 16 : i32
        %parallel_loop3A_355 = vector.broadcast %parallel_loop3A_354 : i32 to vector<16xi32>
        %parallel_loop3A_356 = arith.addi %parallel_loop3A_355, %iota3A_233 : vector<16xi32>
        %parallel_loop3A_357 = arith.constant 3 : i32
        %parallel_loop3A_358 = vector.broadcast %parallel_loop3A_357 : i32 to vector<16xi32>
        %parallel_loop3A_359 = arith.shrui %parallel_loop3A_356, %parallel_loop3A_358 : vector<16xi32>
        %parallel_loop3A_360 = arith.constant 16 : i32
        %parallel_loop3A_361 = vector.broadcast %parallel_loop3A_360 : i32 to vector<16xi32>
        %parallel_loop3A_362 = arith.addi %parallel_loop3A_361, %iota3A_233 : vector<16xi32>
        %parallel_loop3A_363 = arith.constant 7 : i32
        %parallel_loop3A_364 = vector.broadcast %parallel_loop3A_363 : i32 to vector<16xi32>
        %parallel_loop3A_365 = arith.andi %parallel_loop3A_362, %parallel_loop3A_364 : vector<16xi32>
        tpu.vector_store_idx %arg9[%parallel_loop3A_359, %parallel_loop3A_365, %parallel_loop3A_329], %parallel_loop3A_353 : memref<8x8x257xf32, #tpu.memory_space<vmem>>[vector<16xi32>, vector<16xi32>, vector<16xi32>], vector<16xf32>,
        %parallel_loop3A_366 = arith.index_cast %parallel_loop3A_328 : i32 to index
        %parallel_loop3A_367 = arith.constant 32 : index
        %parallel_loop3A_368 = tpu.vector_load %arg7[%parallel_loop3A_366, %parallel_loop3A_367] {strides = array<i32>} : memref<256x64xf32, #tpu.memory_space<vmem>>, vector<16xf32>,
        %parallel_loop3A_369 = arith.constant 8.000000e+00 : f32
        %parallel_loop3A_370 = vector.broadcast %parallel_loop3A_369 : f32 to vector<16xf32>
        %parallel_loop3A_371 = arith.mulf %parallel_loop3A_368, %parallel_loop3A_370 : vector<16xf32>
        %parallel_loop3A_372 = arith.constant 32 : i32
        %parallel_loop3A_373 = vector.broadcast %parallel_loop3A_372 : i32 to vector<16xi32>
        %parallel_loop3A_374 = arith.addi %parallel_loop3A_373, %iota3A_233 : vector<16xi32>
        %parallel_loop3A_375 = arith.constant 3 : i32
        %parallel_loop3A_376 = vector.broadcast %parallel_loop3A_375 : i32 to vector<16xi32>
        %parallel_loop3A_377 = arith.shrui %parallel_loop3A_374, %parallel_loop3A_376 : vector<16xi32>
        %parallel_loop3A_378 = arith.constant 32 : i32
        %parallel_loop3A_379 = vector.broadcast %parallel_loop3A_378 : i32 to vector<16xi32>
        %parallel_loop3A_380 = arith.addi %parallel_loop3A_379, %iota3A_233 : vector<16xi32>
        %parallel_loop3A_381 = arith.constant 7 : i32
        %parallel_loop3A_382 = vector.broadcast %parallel_loop3A_381 : i32 to vector<16xi32>
        %parallel_loop3A_383 = arith.andi %parallel_loop3A_380, %parallel_loop3A_382 : vector<16xi32>
        tpu.vector_store_idx %arg9[%parallel_loop3A_377, %parallel_loop3A_383, %parallel_loop3A_329], %parallel_loop3A_371 : memref<8x8x257xf32, #tpu.memory_space<vmem>>[vector<16xi32>, vector<16xi32>, vector<16xi32>], vector<16xf32>,
        %parallel_loop3A_384 = arith.index_cast %parallel_loop3A_328 : i32 to index
        %parallel_loop3A_385 = arith.constant 48 : index
        %parallel_loop3A_386 = tpu.vector_load %arg7[%parallel_loop3A_384, %parallel_loop3A_385] {strides = array<i32>} : memref<256x64xf32, #tpu.memory_space<vmem>>, vector<16xf32>,
        %parallel_loop3A_387 = arith.constant 8.000000e+00 : f32
        %parallel_loop3A_388 = vector.broadcast %parallel_loop3A_387 : f32 to vector<16xf32>
        %parallel_loop3A_389 = arith.mulf %parallel_loop3A_386, %parallel_loop3A_388 : vector<16xf32>
        %parallel_loop3A_390 = arith.constant 48 : i32
        %parallel_loop3A_391 = vector.broadcast %parallel_loop3A_390 : i32 to vector<16xi32>
        %parallel_loop3A_392 = arith.addi %parallel_loop3A_391, %iota3A_233 : vector<16xi32>
        %parallel_loop3A_393 = arith.constant 3 : i32
        %parallel_loop3A_394 = vector.broadcast %parallel_loop3A_393 : i32 to vector<16xi32>
        %parallel_loop3A_395 = arith.shrui %parallel_loop3A_392, %parallel_loop3A_394 : vector<16xi32>
        %parallel_loop3A_396 = arith.constant 48 : i32
        %parallel_loop3A_397 = vector.broadcast %parallel_loop3A_396 : i32 to vector<16xi32>
        %parallel_loop3A_398 = arith.addi %parallel_loop3A_397, %iota3A_233 : vector<16xi32>
        %parallel_loop3A_399 = arith.constant 7 : i32
        %parallel_loop3A_400 = vector.broadcast %parallel_loop3A_399 : i32 to vector<16xi32>
        %parallel_loop3A_401 = arith.andi %parallel_loop3A_398, %parallel_loop3A_400 : vector<16xi32>
        tpu.vector_store_idx %arg9[%parallel_loop3A_395, %parallel_loop3A_401, %parallel_loop3A_329], %parallel_loop3A_389 : memref<8x8x257xf32, #tpu.memory_space<vmem>>[vector<16xi32>, vector<16xi32>, vector<16xi32>], vector<16xf32>,
      } {sc.loop_unroll_factor = 4 : i64, sc.parallel_access}
      %add3A_237 = arith.constant 1 : i32
      %add3A_238 = arith.addi %mul3A_110, %add3A_237 : i32
      %add3A_239 = arith.addi %mul3A_4, %add3A_238 : i32
      %jit3A_240 = arith.constant 16 : i32
      %div3A_241 = arith.divsi %add3A_239, %jit3A_240 : i32
      %sign3A_242 = arith.constant 0 : i32
      %sign3A_243 = arith.cmpi sgt, %add3A_239, %sign3A_242 : i32
      %sign3A_244 = arith.extui %sign3A_243 : i1 to i32
      %sign3A_245 = arith.constant 0 : i32
      %sign3A_246 = arith.cmpi slt, %add3A_239, %sign3A_245 : i32
      %sign3A_247 = arith.extui %sign3A_246 : i1 to i32
      %sign3A_248 = arith.subi %sign3A_244, %sign3A_247 : i32
      %sign3A_249 = arith.constant 0 : i32
      %sign3A_250 = arith.cmpi sgt, %jit3A_240, %sign3A_249 : i32
      %sign3A_251 = arith.extui %sign3A_250 : i1 to i32
      %sign3A_252 = arith.constant 0 : i32
      %sign3A_253 = arith.cmpi slt, %jit3A_240, %sign3A_252 : i32
      %sign3A_254 = arith.extui %sign3A_253 : i1 to i32
      %sign3A_255 = arith.subi %sign3A_251, %sign3A_254 : i32
      %ne3A_256 = arith.cmpi ne, %sign3A_248, %sign3A_255 : i32
      %rem3A_257 = arith.remsi %add3A_239, %jit3A_240 : i32
      %ne3A_258 = arith.constant 0 : i32
      %ne3A_259 = arith.cmpi ne, %rem3A_257, %ne3A_258 : i32
      %and3A_260 = arith.andi %ne3A_256, %ne3A_259 : i1
      %sub3A_261 = arith.constant 1 : i32
      %sub3A_262 = arith.subi %div3A_241, %sub3A_261 : i32
      %select_n3A_263 = arith.select %and3A_260, %sub3A_262, %div3A_241 : i32
      %jit3A_264 = arith.constant 16 : i32
      %eq3A_265 = arith.constant 0 : i32
      %eq3A_266 = arith.cmpi eq, %jit3A_264, %eq3A_265 : i32
      %jit3A_267 = arith.constant 1 : i32
      %select_n3A_268 = arith.select %eq3A_266, %jit3A_267, %jit3A_264 : i32
      %rem3A_269 = arith.remsi %add3A_239, %select_n3A_268 : i32
      %ne3A_270 = arith.constant 0 : i32
      %ne3A_271 = arith.cmpi ne, %rem3A_269, %ne3A_270 : i32
      %lt3A_272 = arith.constant 0 : i32
      %lt3A_273 = arith.cmpi slt, %rem3A_269, %lt3A_272 : i32
      %lt3A_274 = arith.constant 0 : i32
      %lt3A_275 = arith.cmpi slt, %select_n3A_268, %lt3A_274 : i32
      %ne3A_276 = arith.xori %lt3A_273, %lt3A_275 : i1
      %and3A_277 = arith.andi %ne3A_276, %ne3A_271 : i1
      %add3A_278 = arith.addi %rem3A_269, %select_n3A_268 : i32
      %select_n3A_279 = arith.select %and3A_277, %add3A_278, %rem3A_269 : i32
      %mul3A_280 = arith.constant 2 : i32
      %mul3A_281 = arith.muli %select_n3A_279, %mul3A_280 : i32
      %add3A_282 = arith.constant 0 : i32
      %add3A_283 = arith.addi %mul3A_281, %add3A_282 : i32
      %dma_start3A_284 = arith.constant 1 : i32
      %dma_start3A_285 = arith.constant 0 : i32
      %dma_start3A_286 = arith.constant 0 : i32
      %dma_start3A_287 = arith.constant 0 : i32
      %dma_start3A_288 = tpu.memref_slice %arg9[%dma_start3A_285, %dma_start3A_286, %dma_start3A_287] : memref<8x8x257xf32, #tpu.memory_space<vmem>> -> memref<8x8x128xf32, #tpu.memory_space<vmem>>
      %dma_start3A_289 = arith.constant 0 : i32
      %dma_start3A_290 = arith.constant 0 : i32
      %dma_start3A_291 = arith.constant 0 : i32
      %dma_start3A_292 = tpu.memref_slice %arg4[%select_n3A_263, %dma_start3A_289, %add3A_283, %dma_start3A_290, %dma_start3A_291] : memref<200x8x32x8x128xf32, #tpu.memory_space<hbm>> -> memref<1x8x1x8x128xf32, #tpu.memory_space<hbm>>
      %dma_start3A_293 = tpu.memref_squeeze %dma_start3A_292 : memref<1x8x1x8x128xf32, #tpu.memory_space<hbm>> -> memref<8x8x128xf32, #tpu.memory_space<hbm>>
      %dma_start3A_294 = tpu.memref_slice %arg11[%dma_start3A_284] : memref<2x!tpu.dma_semaphore, #tpu.memory_space<semaphore_mem>> -> memref<1x!tpu.dma_semaphore, #tpu.memory_space<semaphore_mem>>
      %dma_start3A_295 = tpu.memref_squeeze %dma_start3A_294 : memref<1x!tpu.dma_semaphore, #tpu.memory_space<semaphore_mem>> -> memref<!tpu.dma_semaphore, #tpu.memory_space<semaphore_mem>>
      %dma_start3A_296 = arith.constant 0 : i32
      %dma_start3A_297 = arith.constant 0 : i32
      %dma_start3A_298 = arith.constant 0 : i32
      %dma_start3A_299 = tpu.memref_slice %arg4[%select_n3A_263, %dma_start3A_296, %add3A_283, %dma_start3A_297, %dma_start3A_298] : memref<200x8x32x8x128xf32, #tpu.memory_space<hbm>> -> memref<1x8x1x8x128xf32, #tpu.memory_space<hbm>>
      %dma_start3A_300 = tpu.memref_squeeze %dma_start3A_299 : memref<1x8x1x8x128xf32, #tpu.memory_space<hbm>> -> memref<8x8x128xf32, #tpu.memory_space<hbm>>
      %dma_start3A_301 = arith.constant 0 : i32
      %dma_start3A_302 = arith.constant 0 : i32
      %dma_start3A_303 = arith.constant 0 : i32
      %dma_start3A_304 = tpu.memref_slice %arg9[%dma_start3A_301, %dma_start3A_302, %dma_start3A_303] : memref<8x8x257xf32, #tpu.memory_space<vmem>> -> memref<8x8x128xf32, #tpu.memory_space<vmem>>
      tpu.enqueue_dma source(%dma_start3A_304 : memref<8x8x128xf32, #tpu.memory_space<vmem>>) target(%dma_start3A_300 : memref<8x8x128xf32, #tpu.memory_space<hbm>>) target_semaphore(%dma_start3A_295 : memref<!tpu.dma_semaphore, #tpu.memory_space<semaphore_mem>>)
      %add3A_305 = arith.constant 1 : i32
      %add3A_306 = arith.addi %mul3A_281, %add3A_305 : i32
      %dma_start3A_307 = arith.constant 1 : i32
      %dma_start3A_308 = arith.constant 0 : i32
      %dma_start3A_309 = arith.constant 0 : i32
      %dma_start3A_310 = arith.constant 128 : i32
      %dma_start3A_311 = tpu.memref_slice %arg9[%dma_start3A_308, %dma_start3A_309, %dma_start3A_310] : memref<8x8x257xf32, #tpu.memory_space<vmem>> -> memref<8x8x128xf32, #tpu.memory_space<vmem>>
      %dma_start3A_312 = arith.constant 0 : i32
      %dma_start3A_313 = arith.constant 0 : i32
      %dma_start3A_314 = arith.constant 0 : i32
      %dma_start3A_315 = tpu.memref_slice %arg4[%select_n3A_263, %dma_start3A_312, %add3A_306, %dma_start3A_313, %dma_start3A_314] : memref<200x8x32x8x128xf32, #tpu.memory_space<hbm>> -> memref<1x8x1x8x128xf32, #tpu.memory_space<hbm>>
      %dma_start3A_316 = tpu.memref_squeeze %dma_start3A_315 : memref<1x8x1x8x128xf32, #tpu.memory_space<hbm>> -> memref<8x8x128xf32, #tpu.memory_space<hbm>>
      %dma_start3A_317 = tpu.memref_slice %arg11[%dma_start3A_307] : memref<2x!tpu.dma_semaphore, #tpu.memory_space<semaphore_mem>> -> memref<1x!tpu.dma_semaphore, #tpu.memory_space<semaphore_mem>>
      %dma_start3A_318 = tpu.memref_squeeze %dma_start3A_317 : memref<1x!tpu.dma_semaphore, #tpu.memory_space<semaphore_mem>> -> memref<!tpu.dma_semaphore, #tpu.memory_space<semaphore_mem>>
      %dma_start3A_319 = arith.constant 0 : i32
      %dma_start3A_320 = arith.constant 0 : i32
      %dma_start3A_321 = arith.constant 0 : i32
      %dma_start3A_322 = tpu.memref_slice %arg4[%select_n3A_263, %dma_start3A_319, %add3A_306, %dma_start3A_320, %dma_start3A_321] : memref<200x8x32x8x128xf32, #tpu.memory_space<hbm>> -> memref<1x8x1x8x128xf32, #tpu.memory_space<hbm>>
      %dma_start3A_323 = tpu.memref_squeeze %dma_start3A_322 : memref<1x8x1x8x128xf32, #tpu.memory_space<hbm>> -> memref<8x8x128xf32, #tpu.memory_space<hbm>>
      %dma_start3A_324 = arith.constant 0 : i32
      %dma_start3A_325 = arith.constant 0 : i32
      %dma_start3A_326 = arith.constant 128 : i32
      %dma_start3A_327 = tpu.memref_slice %arg9[%dma_start3A_324, %dma_start3A_325, %dma_start3A_326] : memref<8x8x257xf32, #tpu.memory_space<vmem>> -> memref<8x8x128xf32, #tpu.memory_space<vmem>>
      tpu.enqueue_dma source(%dma_start3A_327 : memref<8x8x128xf32, #tpu.memory_space<vmem>>) target(%dma_start3A_323 : memref<8x8x128xf32, #tpu.memory_space<hbm>>) target_semaphore(%dma_start3A_318 : memref<!tpu.dma_semaphore, #tpu.memory_space<semaphore_mem>>)
    }
    %scan3A_16 = arith.constant 50 : i32
    %dma_wait3A = arith.constant 0 : i32
    %dma_wait3A_17 = arith.constant 0 : i32
    %dma_wait3A_18 = arith.constant 0 : i32
    %dma_wait3A_19 = arith.constant 0 : i32
    %dma_wait3A_20 = arith.constant 0 : i32
    %dma_wait3A_21 = arith.constant 0 : i32
    %dma_wait3A_22 = tpu.memref_slice %arg8[%dma_wait3A_19, %dma_wait3A_20, %dma_wait3A_21] : memref<8x8x257xf32, #tpu.memory_space<vmem>> -> memref<8x8x128xf32, #tpu.memory_space<vmem>>
    %dma_wait3A_23 = arith.constant 0 : i32
    %dma_wait3A_24 = arith.constant 0 : i32
    %dma_wait3A_25 = arith.constant 0 : i32
    %dma_wait3A_26 = tpu.memref_slice %arg4[%dma_wait3A, %dma_wait3A_23, %dma_wait3A_17, %dma_wait3A_24, %dma_wait3A_25] : memref<200x8x32x8x128xf32, #tpu.memory_space<hbm>> -> memref<1x8x1x8x128xf32, #tpu.memory_space<hbm>>
    %dma_wait3A_27 = tpu.memref_squeeze %dma_wait3A_26 : memref<1x8x1x8x128xf32, #tpu.memory_space<hbm>> -> memref<8x8x128xf32, #tpu.memory_space<hbm>>
    %dma_wait3A_28 = tpu.memref_slice %arg11[%dma_wait3A_18] : memref<2x!tpu.dma_semaphore, #tpu.memory_space<semaphore_mem>> -> memref<1x!tpu.dma_semaphore, #tpu.memory_space<semaphore_mem>>
    %dma_wait3A_29 = tpu.memref_squeeze %dma_wait3A_28 : memref<1x!tpu.dma_semaphore, #tpu.memory_space<semaphore_mem>> -> memref<!tpu.dma_semaphore, #tpu.memory_space<semaphore_mem>>
    %dma_wait3A_30 = arith.constant 0 : i32
    %dma_wait3A_31 = arith.constant 0 : i32
    %dma_wait3A_32 = arith.constant 0 : i32
    %dma_wait3A_33 = tpu.memref_slice %arg4[%dma_wait3A, %dma_wait3A_30, %dma_wait3A_17, %dma_wait3A_31, %dma_wait3A_32] : memref<200x8x32x8x128xf32, #tpu.memory_space<hbm>> -> memref<1x8x1x8x128xf32, #tpu.memory_space<hbm>>
    %dma_wait3A_34 = tpu.memref_squeeze %dma_wait3A_33 : memref<1x8x1x8x128xf32, #tpu.memory_space<hbm>> -> memref<8x8x128xf32, #tpu.memory_space<hbm>>
    %dma_wait3A_35 = arith.constant 0 : i32
    %dma_wait3A_36 = arith.constant 0 : i32
    %dma_wait3A_37 = arith.constant 0 : i32
    %dma_wait3A_38 = tpu.memref_slice %arg8[%dma_wait3A_35, %dma_wait3A_36, %dma_wait3A_37] : memref<8x8x257xf32, #tpu.memory_space<vmem>> -> memref<8x8x128xf32, #tpu.memory_space<vmem>>
    tpu.wait_dma2 semaphore(%dma_wait3A_29 : memref<!tpu.dma_semaphore, #tpu.memory_space<semaphore_mem>>) src(%dma_wait3A_38 : memref<8x8x128xf32, #tpu.memory_space<vmem>>) dst(%dma_wait3A_34 : memref<8x8x128xf32, #tpu.memory_space<hbm>>)
    %dma_wait3A_39 = arith.constant 0 : i32
    %dma_wait3A_40 = arith.constant 0 : i32
    %dma_wait3A_41 = arith.constant 0 : i32
    %dma_wait3A_42 = arith.constant 0 : i32
    %dma_wait3A_43 = arith.constant 0 : i32
    %dma_wait3A_44 = arith.constant 0 : i32
    %dma_wait3A_45 = tpu.memref_slice %arg8[%dma_wait3A_42, %dma_wait3A_43, %dma_wait3A_44] : memref<8x8x257xf32, #tpu.memory_space<vmem>> -> memref<8x8x128xf32, #tpu.memory_space<vmem>>
    %dma_wait3A_46 = arith.constant 0 : i32
    %dma_wait3A_47 = arith.constant 0 : i32
    %dma_wait3A_48 = arith.constant 0 : i32
    %dma_wait3A_49 = tpu.memref_slice %arg4[%dma_wait3A_39, %dma_wait3A_46, %dma_wait3A_40, %dma_wait3A_47, %dma_wait3A_48] : memref<200x8x32x8x128xf32, #tpu.memory_space<hbm>> -> memref<1x8x1x8x128xf32, #tpu.memory_space<hbm>>
    %dma_wait3A_50 = tpu.memref_squeeze %dma_wait3A_49 : memref<1x8x1x8x128xf32, #tpu.memory_space<hbm>> -> memref<8x8x128xf32, #tpu.memory_space<hbm>>
    %dma_wait3A_51 = tpu.memref_slice %arg11[%dma_wait3A_41] : memref<2x!tpu.dma_semaphore, #tpu.memory_space<semaphore_mem>> -> memref<1x!tpu.dma_semaphore, #tpu.memory_space<semaphore_mem>>
    %dma_wait3A_52 = tpu.memref_squeeze %dma_wait3A_51 : memref<1x!tpu.dma_semaphore, #tpu.memory_space<semaphore_mem>> -> memref<!tpu.dma_semaphore, #tpu.memory_space<semaphore_mem>>
    %dma_wait3A_53 = arith.constant 0 : i32
    %dma_wait3A_54 = arith.constant 0 : i32
    %dma_wait3A_55 = arith.constant 0 : i32
    %dma_wait3A_56 = tpu.memref_slice %arg4[%dma_wait3A_39, %dma_wait3A_53, %dma_wait3A_40, %dma_wait3A_54, %dma_wait3A_55] : memref<200x8x32x8x128xf32, #tpu.memory_space<hbm>> -> memref<1x8x1x8x128xf32, #tpu.memory_space<hbm>>
    %dma_wait3A_57 = tpu.memref_squeeze %dma_wait3A_56 : memref<1x8x1x8x128xf32, #tpu.memory_space<hbm>> -> memref<8x8x128xf32, #tpu.memory_space<hbm>>
    %dma_wait3A_58 = arith.constant 0 : i32
    %dma_wait3A_59 = arith.constant 0 : i32
    %dma_wait3A_60 = arith.constant 0 : i32
    %dma_wait3A_61 = tpu.memref_slice %arg8[%dma_wait3A_58, %dma_wait3A_59, %dma_wait3A_60] : memref<8x8x257xf32, #tpu.memory_space<vmem>> -> memref<8x8x128xf32, #tpu.memory_space<vmem>>
    tpu.wait_dma2 semaphore(%dma_wait3A_52 : memref<!tpu.dma_semaphore, #tpu.memory_space<semaphore_mem>>) src(%dma_wait3A_61 : memref<8x8x128xf32, #tpu.memory_space<vmem>>) dst(%dma_wait3A_57 : memref<8x8x128xf32, #tpu.memory_space<hbm>>)
    %dma_wait3A_62 = arith.constant 0 : i32
    %dma_wait3A_63 = arith.constant 0 : i32
    %dma_wait3A_64 = arith.constant 1 : i32
    %dma_wait3A_65 = arith.constant 0 : i32
    %dma_wait3A_66 = arith.constant 0 : i32
    %dma_wait3A_67 = arith.constant 0 : i32
    %dma_wait3A_68 = tpu.memref_slice %arg9[%dma_wait3A_65, %dma_wait3A_66, %dma_wait3A_67] : memref<8x8x257xf32, #tpu.memory_space<vmem>> -> memref<8x8x128xf32, #tpu.memory_space<vmem>>
    %dma_wait3A_69 = arith.constant 0 : i32
    %dma_wait3A_70 = arith.constant 0 : i32
    %dma_wait3A_71 = arith.constant 0 : i32
    %dma_wait3A_72 = tpu.memref_slice %arg4[%dma_wait3A_62, %dma_wait3A_69, %dma_wait3A_63, %dma_wait3A_70, %dma_wait3A_71] : memref<200x8x32x8x128xf32, #tpu.memory_space<hbm>> -> memref<1x8x1x8x128xf32, #tpu.memory_space<hbm>>
    %dma_wait3A_73 = tpu.memref_squeeze %dma_wait3A_72 : memref<1x8x1x8x128xf32, #tpu.memory_space<hbm>> -> memref<8x8x128xf32, #tpu.memory_space<hbm>>
    %dma_wait3A_74 = tpu.memref_slice %arg11[%dma_wait3A_64] : memref<2x!tpu.dma_semaphore, #tpu.memory_space<semaphore_mem>> -> memref<1x!tpu.dma_semaphore, #tpu.memory_space<semaphore_mem>>
    %dma_wait3A_75 = tpu.memref_squeeze %dma_wait3A_74 : memref<1x!tpu.dma_semaphore, #tpu.memory_space<semaphore_mem>> -> memref<!tpu.dma_semaphore, #tpu.memory_space<semaphore_mem>>
    %dma_wait3A_76 = arith.constant 0 : i32
    %dma_wait3A_77 = arith.constant 0 : i32
    %dma_wait3A_78 = arith.constant 0 : i32
    %dma_wait3A_79 = tpu.memref_slice %arg4[%dma_wait3A_62, %dma_wait3A_76, %dma_wait3A_63, %dma_wait3A_77, %dma_wait3A_78] : memref<200x8x32x8x128xf32, #tpu.memory_space<hbm>> -> memref<1x8x1x8x128xf32, #tpu.memory_space<hbm>>
    %dma_wait3A_80 = tpu.memref_squeeze %dma_wait3A_79 : memref<1x8x1x8x128xf32, #tpu.memory_space<hbm>> -> memref<8x8x128xf32, #tpu.memory_space<hbm>>
    %dma_wait3A_81 = arith.constant 0 : i32
    %dma_wait3A_82 = arith.constant 0 : i32
    %dma_wait3A_83 = arith.constant 0 : i32
    %dma_wait3A_84 = tpu.memref_slice %arg9[%dma_wait3A_81, %dma_wait3A_82, %dma_wait3A_83] : memref<8x8x257xf32, #tpu.memory_space<vmem>> -> memref<8x8x128xf32, #tpu.memory_space<vmem>>
    tpu.wait_dma2 semaphore(%dma_wait3A_75 : memref<!tpu.dma_semaphore, #tpu.memory_space<semaphore_mem>>) src(%dma_wait3A_84 : memref<8x8x128xf32, #tpu.memory_space<vmem>>) dst(%dma_wait3A_80 : memref<8x8x128xf32, #tpu.memory_space<hbm>>)
    %dma_wait3A_85 = arith.constant 0 : i32
    %dma_wait3A_86 = arith.constant 0 : i32
    %dma_wait3A_87 = arith.constant 1 : i32
    %dma_wait3A_88 = arith.constant 0 : i32
    %dma_wait3A_89 = arith.constant 0 : i32
    %dma_wait3A_90 = arith.constant 0 : i32
    %dma_wait3A_91 = tpu.memref_slice %arg9[%dma_wait3A_88, %dma_wait3A_89, %dma_wait3A_90] : memref<8x8x257xf32, #tpu.memory_space<vmem>> -> memref<8x8x128xf32, #tpu.memory_space<vmem>>
    %dma_wait3A_92 = arith.constant 0 : i32
    %dma_wait3A_93 = arith.constant 0 : i32
    %dma_wait3A_94 = arith.constant 0 : i32
    %dma_wait3A_95 = tpu.memref_slice %arg4[%dma_wait3A_85, %dma_wait3A_92, %dma_wait3A_86, %dma_wait3A_93, %dma_wait3A_94] : memref<200x8x32x8x128xf32, #tpu.memory_space<hbm>> -> memref<1x8x1x8x128xf32, #tpu.memory_space<hbm>>
    %dma_wait3A_96 = tpu.memref_squeeze %dma_wait3A_95 : memref<1x8x1x8x128xf32, #tpu.memory_space<hbm>> -> memref<8x8x128xf32, #tpu.memory_space<hbm>>
    %dma_wait3A_97 = tpu.memref_slice %arg11[%dma_wait3A_87] : memref<2x!tpu.dma_semaphore, #tpu.memory_space<semaphore_mem>> -> memref<1x!tpu.dma_semaphore, #tpu.memory_space<semaphore_mem>>
    %dma_wait3A_98 = tpu.memref_squeeze %dma_wait3A_97 : memref<1x!tpu.dma_semaphore, #tpu.memory_space<semaphore_mem>> -> memref<!tpu.dma_semaphore, #tpu.memory_space<semaphore_mem>>
    %dma_wait3A_99 = arith.constant 0 : i32
    %dma_wait3A_100 = arith.constant 0 : i32
    %dma_wait3A_101 = arith.constant 0 : i32
    %dma_wait3A_102 = tpu.memref_slice %arg4[%dma_wait3A_85, %dma_wait3A_99, %dma_wait3A_86, %dma_wait3A_100, %dma_wait3A_101] : memref<200x8x32x8x128xf32, #tpu.memory_space<hbm>> -> memref<1x8x1x8x128xf32, #tpu.memory_space<hbm>>
    %dma_wait3A_103 = tpu.memref_squeeze %dma_wait3A_102 : memref<1x8x1x8x128xf32, #tpu.memory_space<hbm>> -> memref<8x8x128xf32, #tpu.memory_space<hbm>>
    %dma_wait3A_104 = arith.constant 0 : i32
    %dma_wait3A_105 = arith.constant 0 : i32
    %dma_wait3A_106 = arith.constant 0 : i32
    %dma_wait3A_107 = tpu.memref_slice %arg9[%dma_wait3A_104, %dma_wait3A_105, %dma_wait3A_106] : memref<8x8x257xf32, #tpu.memory_space<vmem>> -> memref<8x8x128xf32, #tpu.memory_space<vmem>>
    tpu.wait_dma2 semaphore(%dma_wait3A_98 : memref<!tpu.dma_semaphore, #tpu.memory_space<semaphore_mem>>) src(%dma_wait3A_107 : memref<8x8x128xf32, #tpu.memory_space<vmem>>) dst(%dma_wait3A_103 : memref<8x8x128xf32, #tpu.memory_space<hbm>>)
    return
  }
}

</mosaic_0001>

<sc_bundles>
// kernel: kernel.3.cloned.1.call-start
scs
__scs_entry_jumppad:
0x0: {  	(pc) =	sbr.rel $0x88, $3  }
0x1: {  	(tag) =	ssettag $0x0;
	lr =	simm.s32 $0x1  }
0x2: {  	[smem:$0x3F9F] =	sst lr;
	_ =	strace $0xD0000000  }
0x3: {  	_ = 	snop  }
0x4: {  	_ = 	snop  }
0x5: {  	_ = 	snop  }
0x6: {  	_ = 	snop  }
0x7: {  	_ = 	snop  }
__scs_overlays_trampoline_lowered:
0x8: {  	[smem:$0x3FAE] =	sst s0  }
0x9: {  	[smem:$0x3FAF] =	sst s1  }
0xa: {  	[smem:$0x3FB0] =	sst s2  }
0xb: {  	[smem:$0x3FB1] =	sst s3  }
0xc: {  	[smem:$0x3FB2] =	sst s4  }
0xd: {  	[smem:$0x3FB3] =	sst s5  }
0xe: {  	[smem:$0x3FB4] =	sst s6  }
0xf: {  	[smem:$0x3FB5] =	sst s7  }
0x10: {  	[smem:$0x3FB6] =	sst s8  }
0x11: {  	[smem:$0x3FB7] =	sst s9;
	s0 =	simm.s32 @!p0 $0x0  }
0x12: {  	s1 =	sld [smem:$0x3F9D];
	s0 =	simm.s32 @p0 $0x1  }
0x13: {  	[smem:$0x3FB8] =	sst s0;
	s0 =	simm.s32 @!p1 $0x0  }
0x14: {  	s2 =	sld [smem:$0x3F9C];
	s0 =	simm.s32 @p1 $0x1  }
0x15: {  	[smem:$0x3FB9] =	sst s0;
	s0 =	simm.s32 @!p2 $0x0  }
0x16: {  	s3 =	sld [smem:$0x3FDB];
	s0 =	simm.s32 @p2 $0x1  }
0x17: {  	s4 =	simm.s32 $0x1BF5;
	[smem:$0x3FBB] =	sst s0  }
0x18: {  	s0 =	sld [smem:$0x3F9E];
	_ =	swait.ge [sflag:s4], $0x0  }
0x19: {  	s7 =	sld [smem:$0x3F9F]  }
0x1a: {  	s8 =	sadd.s32 $0xFFFFE003, lr  }
0x1b: {  	s9 =	sadd.s32 $0xFFFFFEF7, lr;
	s5 =	simm.s32 $0xFFFFFFFF;
	p2 =	slt.u32 s8, $0xFFFFF086  }
0x1c: {  	p1 =	slt.u32 s9, $0xF7A;
	s5 =	simm.s32 @!p2 $0x0  }
0x1d: {  	s5 =	simm.s32 @p1 $0x1;
	p0 =	seq.s32 s7, s2  }
0x1e: {  	s7 =	smul.u32 @!p0 $0xF7A, s2;
	p2 =	seq.s32 @!p0 s5, $0x0  }
0x1f: {  	s9 =	smul.u32 $0xF7A, s1;
	s8 =	simm.s32 @!p0 $0x1BF5;
	p2 =	por !p2, p0  }
0x20: {  	[sflag:s8] =	ssyncset.s32 @!p0 $0xFFFFF086;
	s6 =	sadd.s32 @!p0 s3, s7;
	s7 =	simm.s32 @!p0 $0x108  }
0x21: {  	s3 =	sadd.s32 s3, s9;
	s6 =	sadd.s32 @!p0 $0x88, s6;
	s7 =	simm.s32 @p2 $0x1082  }
0x22: {  	[simem:s7], [sflag:s8] =	dma.local @!p0 [hbm:s6], $0xF7A  }
0x23: {  	s9 =	sor.u32 $0xD0000000, s2;
	s6 =	simm.s32 $0x108;
	_ =	swait.ge @!p0 [sflag:s8], $0x0  }
0x24: {  	s3 =	sadd.s32 $0x88, s3;
	s6 =	simm.s32 @!p1 $0x1082;
	[sflag:s4] =	ssyncset.s32 $0xFFFFF086  }
0x25: {  	[simem:s6], [sflag:s4] =	dma.local [hbm:s3], $0xF7A  }
0x26: {  	[smem:$0x3F9F] =	sst s1;
	(tag) =	ssettag s2;
	_ =	strace s9  }
0x27: {  	s1 =	sld [smem:$0x3FAF]  }
0x28: {  	s2 =	sld [smem:$0x3FB0]  }
0x29: {  	s4 =	sld [smem:$0x3FB2]  }
0x2a: {  	p0 =	seq.s32 s5, $0x0;
	s5 =	sld [smem:$0x3FB3]  }
0x2b: {  	s6 =	sld [smem:$0x3FB4]  }
0x2c: {  	s7 =	sld [smem:$0x3FB5]  }
0x2d: {  	s3 =	simm.s32 $0x108;
	s8 =	sld [smem:$0x3FB6]  }
0x2e: {  	s3 =	simm.s32 @!p0 $0x1082;
	s9 =	sld [smem:$0x3FB7]  }
0x2f: {  	lr =	sadd.s32 s0, s3;
	s0 =	sld [smem:$0x3FAE]  }
0x30: {  	s3 =	sld [smem:$0x3FB1]  }
0x31: {  	[smem:$0x3FBA] =	sst s10  }
0x32: {  	s10 =	sld [smem:$0x3FB8];
	_ =	sdelay $0x3  }
0x33: {  	p0 =	seq.s32 s10, $0x1;
	s10 =	sld [smem:$0x3FBA];
	_ =	sdelay $0x3  }
0x34: {  	[smem:$0x3FBA] =	sst s10  }
0x35: {  	s10 =	sld [smem:$0x3FB9];
	_ =	sdelay $0x3  }
0x36: {  	p1 =	seq.s32 s10, $0x1;
	s10 =	sld [smem:$0x3FBA];
	_ =	sdelay $0x3  }
0x37: {  	[smem:$0x3FBA] =	sst s10  }
0x38: {  	s10 =	sld [smem:$0x3FBB]  }
0x39: {  	_ = 	snop;
	(pc) =	sbr.ind lr, $3  }
0x3a: {  	_ = 	snop  }
0x3b: {  	_ = 	snop  }
0x3c: {  	p2 =	seq.s32 s10, $0x1;
	s10 =	sld [smem:$0x3FBA]  }
0x3d: {  	_ =	shalt  }
0x3e: {  	_ =	shalt  }
0x3f: {  	_ =	shalt  }
0x40: {  	_ =	shalt  }
0x41: {  	_ =	shalt  }
0x42: {  	_ =	shalt  }
0x43: {  	_ =	shalt  }
0x44: {  	_ =	shalt  }
0x45: {  	_ =	shalt  }
0x46: {  	_ =	shalt  }
0x47: {  	_ =	shalt  }
0x48: {  	_ =	shalt  }
0x49: {  	_ =	shalt  }
0x4a: {  	_ =	shalt  }
0x4b: {  	_ =	shalt  }
0x4c: {  	_ =	shalt  }
0x4d: {  	_ =	shalt  }
0x4e: {  	_ =	shalt  }
0x4f: {  	_ =	shalt  }
0x50: {  	_ =	shalt  }
0x51: {  	_ =	shalt  }
0x52: {  	_ =	shalt  }
0x53: {  	_ =	shalt  }
0x54: {  	_ =	shalt  }
0x55: {  	_ =	shalt  }
0x56: {  	_ =	shalt  }
0x57: {  	_ =	shalt  }
0x58: {  	_ =	shalt  }
0x59: {  	_ =	shalt  }
0x5a: {  	_ =	shalt  }
0x5b: {  	_ =	shalt  }
0x5c: {  	_ =	shalt  }
0x5d: {  	_ =	shalt  }
0x5e: {  	_ =	shalt  }
0x5f: {  	_ =	shalt  }
0x60: {  	_ =	shalt  }
0x61: {  	_ =	shalt  }
0x62: {  	_ =	shalt  }
0x63: {  	_ =	shalt  }
0x64: {  	_ =	shalt  }
0x65: {  	_ =	shalt  }
0x66: {  	_ =	shalt  }
0x67: {  	_ =	shalt  }
0x68: {  	_ =	shalt  }
0x69: {  	_ =	shalt  }
0x6a: {  	_ =	shalt  }
0x6b: {  	_ =	shalt  }
0x6c: {  	_ =	shalt  }
0x6d: {  	_ =	shalt  }
0x6e: {  	_ =	shalt  }
0x6f: {  	_ =	shalt  }
0x70: {  	_ =	shalt  }
0x71: {  	_ =	shalt  }
0x72: {  	_ =	shalt  }
0x73: {  	_ =	shalt  }
0x74: {  	_ =	shalt  }
0x75: {  	_ =	shalt  }
0x76: {  	_ =	shalt  }
0x77: {  	_ =	shalt  }
0x78: {  	_ =	shalt  }
0x79: {  	_ =	shalt  }
0x7a: {  	_ =	shalt  }
0x7b: {  	_ =	shalt  }
0x7c: {  	_ =	shalt  }
0x7d: {  	_ =	shalt  }
0x7e: {  	_ =	shalt  }
0x7f: {  	_ =	shalt  }
0x80: {  	_ =	shalt  }
0x81: {  	_ =	shalt  }
0x82: {  	_ =	shalt  }
0x83: {  	_ =	shalt  }
0x84: {  	_ =	shalt  }
0x85: {  	_ =	shalt  }
0x86: {  	_ =	shalt  }
0x87: {  	_ =	shalt  }
.Lfunc_end0:
.L_simem_size_0:
called_computation_lowered:
.L_overlay_start_0:
0x88: {  	s2 =	sld [smem:$0x3FD9]  }
0x89: {  	s3 =	sld [smem:$0x3FFE];
	_ =	sdelay $0x1  }
0x8a: {  	s1 =	srdreg.scid  }
0x8b: {  	s0 =	sand.u32 $0x1, s1  }
0x8c: {  	s17 =	sshll.u32 s0, $0xA;
	s2 =	sadd.s32 s3, s2  }
0x8d: {  	s2 =	sadd.s32 s2, s17  }
0x8e: {  	[smem:$0x3FC6] =	sst s2  }
0x8f: {  	_ = 	snop  }
0x90: {  	s2 =	sld [smem:$0x3FD0];
	(tm) =	ssettm $0x1  }
0x91: {  	s18 =	sld [smem:$0x3FFB];
	_ =	sdelay $0x3  }
0x92: {  	_ =	strace s18  }
0x93: {  	s3 =	sld [smem:$0x3FFC];
	_ =	sdelay $0x3  }
0x94: {  	_ =	strace s3  }
0x95: {  	s3 =	sld [smem:$0x3FFD];
	_ =	sdelay $0x3  }
0x96: {  	_ =	strace s3  }
0x97: {  	_ =	strace $0x8FFFFFFF  }
0x98: {  	s19 =	sld [smem:$0x3FDB];
	_ =	sdelay $0x1  }
0x99: {  	s4 =	simm.s32 $_scs_section_size  }
0x9a: {  	s5 =	simm.s32 $_size__tile_overlayer_lowered;
	s6 =	simm.s32 $_tile_overlayer_lowered  }
0x9b: {  	s22 =	simm.s32 $0x1BFF;
	s21 =	sshll.u32 s6, $0x1;
	s3 =	sadd.s32 s4, s19  }
0x9c: {  	s7 =	simm.s32 $0x0;
	s20 =	sshll.u32 s5, $0x1;
	s5 =	sadd.s32 s21, s3  }
0x9d: {  	[timem:s7], [sflag:s22] =	dma.local [hbm:s5], s20  }
0x9e: {  	_ =	swait.ge [sflag:s22], s20  }
0x9f: {  	s4 =	ssub.s32 $0x0, s20;
	[sflag:s22] =	ssyncset.done $0x0  }
0xa0: {  	[sflag:s22] =	ssyncadd.s32 s4;
	_ =	sdelay $0x1  }
0xa1: {  	s23 =	simm.s32 $0x1B8B  }
0xa2: {  	_ =	swait.ge [sflag:s23], $0x1  }
0xa3: {  	[sflag:s23] =	ssyncset.done $0x0  }
0xa4: {  	s25 =	simm.s32 $0x1B8E;
	s24 =	sld [smem:$0x3FFE];
	[sflag:s23] =	ssyncadd.s32 $0xFFFFFFFF  }
0xa5: {  	s26 =	simm.s32 $execute0_lowered;
	[smem:$0x3FD2] =	sst s25  }
0xa6: {  	s5 =	sshll.u32 s26, $0x1;
	_ =	strace $0x80000046;
	[dreg:$0x1] =	wrdreg $0xFFFFFFFF  }
0xa7: {  	s28 =	simm.s32 $_size_execute0_lowered;
	s3 =	sadd.s32 s3, s5;
	[dreg:$0x0] =	wrdreg $0x0  }
0xa8: {  	s5 =	sshll.u32 s28, $0x1;
	[dreg:$0x2] =	wrdreg s3  }
0xa9: {  	[dreg:$0x3] =	wrdreg s5  }
0xaa: {  	[dreg:$0x4] =	wrdreg $0xC0  }
0xab: {  	_ =	task [dreg:s7], $0x5FFFF  }
0xac: {  	[dreg:$0x1] =	wrdreg $0xFFFFFFFF  }
0xad: {  	[dreg:$0x0] =	wrdreg $0x60  }
0xae: {  	[dreg:$0x2] =	wrdreg s24  }
0xaf: {  	[dreg:$0x3] =	wrdreg s2  }
0xb0: {  	[dreg:$0x4] =	wrdreg $0x9  }
0xb1: {  	_ =	task.clear_ibuf [dreg:s7], $0x5FFFF;
	_ =	strace $0x90000046  }
0xb2: {  	s29 =	simm.s32 $0x9;
	_ =	strace $0x80000048  }
0xb3: {  	_ =	swait.ge [sflag:s29], $0x1  }
0xb4: {  	[sflag:s29] =	ssyncadd.s32 $0xFFFFFFFF  }
0xb5: {  	_ =	strace $0x90000048  }
0xb6: {  	_ =	sfence  }
0xb7: {  	s30 =	sld [smem:$0x0];
	_ =	sdelay $0x2  }
0xb8: {  	s31 =	sshll.u32 s1, $0xD;
	s1 =	sshrl.u32 s1, $0x2  }
0xb9: {  	s3 =	sand.u32 $0x4000, s31;
	s1 =	sadd.s32 s1, s30  }
0xba: {  	s0 =	sor.u32 s3, s0;
	s1 =	sshll.u32 s1, $0x11  }
0xbb: {  	s0 =	sor.u32 s1, s0  }
0xbc: {  	s0 =	sadd.s32 $0x8F2B, s0  }
0xbd: {  	[sflag:s0] =	ssyncadd.remote.s32 $0x1  }
0xbe: {  	_ =	sfence.sel $0xFFFF  }
0xbf: {  	[dreg:$0x0] =	wrdreg $0xFFFFFFFF;
	(pc) =	sbr.abs _section_cstart, $3  }
0xc0: {  	[dreg:$0x1] =	wrdreg $0xFFFFFFFF  }
0xc1: {  	_ =	task.clear_ibuf [dreg:s7], $0x2FFFF;
	_ =	strace $0x9FFFFFFF  }
0xc2: {  	(tm) =	ssettm $0x7FFFFFFF  }
0xc3: {  	_ =	shalt  }
tec
execute0_lowered:
.L_overlay_start_1:
0x0: {  	(tag) =	ssettag $0x1  }
0x1: {  	s5 =	rddreg [dreg:$0x0];
	s1 =	srdreg.scid  }
0x2: {  	s0 =	stileid.u32;
	s2 =	rddreg [dreg:$0x1]  }
0x3: {  	s3 =	simm.s32 $0x0;
	s9 =	simm.s32 $0x100;
	s10 =	simm.s32 $0x6400  }
0x4: {  	s11 =	simm.s32 $0xA400;
	s12 =	simm.s32 $0x1;
	s13 =	simm.s32 $0xE400  }
0x5: {  	s14 =	simm.s32 $0x2;
	s15 =	simm.s32 $0x4;
	s16 =	simm.s32 $0x12600  }
0x6: {  	s17 =	simm.s32 $0x3;
	s4 =	sand.u32 $0x1, s1;
	s6 =	sshll.u32 s0, $0x1  }
0x7: {  	s18 =	simm.s32 $0x0;
	s1 =	rddreg [dreg:$0x2];
	s6 =	sor.u32 s4, s6  }
0x8: {  	v0 =	vlaneseq.u32;
	[smem:$0x7FF] =	sst s3;
	s8 =	ssub.s32 $0x2, s4;
	s7 =	smul.u32 $0xC80, s6  }
0x9: {  	v0 =	vmul.u32 $0x108, v0;
	_ =	strace $0x80000047;
	s4 =	sadd.s32 $0xF42A00, s5;
	s31 =	sshrl.u32 s8, $0x1  }
0xa: {  	s8 =	ssub.s32 s8, s31;
	s7 =	sadd.s32 s7, s5;
	s5 =	smul.u32 $0x64, s6  }
0xb: {  	v1 =	vadd.s32 $0x1080, v0;
	v2 =	vadd.s32 $0x2100, v0;
	v3 =	vadd.s32 $0x3180, v0;
	s6 =	sadd.s32 $0x600, s7;
	s7 =	smax.u32 s8, $0x1;
	s8 =	simm.s32 $0x5  }
.LBB2_1:
0xc: {  	[tilespmem:s3], [sflag:$0x5] =	stream.linear.gather [hbm4b:s6+s3], $0x6400, $0x38;
	[tilespmem:$0x16800] =	vst v63  }
0xd: {  	_ =	swait.ge [sflag:s8], $0x6400  }
0xe: {  	[sflag:s8] =	ssyncset.done $0x0  }
0xf: {  	s19 =	simm.s32 $0x0;
	[sflag:s8] =	ssyncadd.s32 $0xFFFF9C00  }
0x10: {  	[tilespmem:s10], [sflag:$0x1] =	stream.indirect.gather [hbm4b:s4+s9], $0x40, s3, s9, $0xb8;
	[tilespmem:$0x16800] =	vst v63  }
.LBB2_2:
0x11: {  	s20 =	sshllo.u32 s19, $0x1  }
0x12: {  	s21 =	sshll.u32 s20, $0x8  }
0x13: {  	s21 =	sand.u32 $0x3FFFFF00, s21  }
0x14: {  	[tilespmem:s11], [sflag:$0x2] =	stream.indirect.gather [hbm4b:s4+s9], $0x40, s21, s9, $0xb8;
	[tilespmem:$0x16800] =	vst v63  }
0x15: {  	_ =	swait.ge [sflag:s12], $0x4000  }
0x16: {  	p0 =	seq.s32 s19, $0x0;
	[sflag:s12] =	ssyncset.done $0x0  }
0x17: {  	s21 =	simm.s32 @!p0 $0x3;
	[sflag:s12] =	ssyncadd.s32 $0xFFFFC000  }
0x18: {  	_ =	swait.ge @!p0 [sflag:s21], $0x2000  }
0x19: {  	[sflag:s21] =	ssyncset.done @!p0 $0x0  }
0x1a: {  	[sflag:s21] =	ssyncadd.s32 @!p0 $0xFFFFE000  }
0x1b: {  	_ =	swait.ge @!p0 [sflag:s21], $0x2000  }
0x1c: {  	[sflag:s21] =	ssyncset.done @!p0 $0x0  }
0x1d: {  	s22 =	simm.s32 $0x6480;
	s25 =	simm.s32 $0x3;
	[sflag:s21] =	ssyncadd.s32 @!p0 $0xFFFFE000  }
0x1e: {  	v4 =	vmov s25;
	v5 =	vld [tilespmem:s22+$0x40]  }
0x1f: {  	v9 =	vand.u32 $0xFF, v4  }
0x20: {  	s26 =	simm.s32 $0x0;
	v4 =	vadd.s32 v0, v9  }
0x21: {  	s28 =	simm.s32 $0x1;
	s23 =	simm.s32 $0x2;
	v6 =	vmov s26;
	v7 =	vld [tilespmem:s22+$0xFFFFFF80]  }
0x22: {  	v11 =	vmov s23;
	v8 =	vand.u32 $0xFC, v6;
	v6 =	vmov s28;
	v10 =	vld [tilespmem:s22+$0xFFFFFFC0]  }
0x23: {  	v12 =	vadd.s32 v0, v8;
	v15 =	vand.u32 $0xFD, v6;
	v6 =	vld [tilespmem:s22+$0x0];
	v5 =	vmul.f32 $8.000000000e+00, v5  }
0x24: {  	v17 =	vand.u32 $0xFE, v11;
	v13 =	vadd.s32 v0, v15  }
0x25: {  	v11 =	vadd.s32 v0, v17;
	[tilespmem:v4+s13+$0x0] =	vst.idx.msk $0xffff, v5  }
0x26: {  	v4 =	vmul.f32 $8.000000000e+00, v7;
	v5 =	vld [tilespmem:s22+$0x50]  }
0x27: {  	v7 =	vmul.f32 $8.000000000e+00, v10  }
0x28: {  	[tilespmem:v12+s13+$0x0] =	vst.idx.msk $0xffff, v4;
	v4 =	vmul.f32 $8.000000000e+00, v6;
	v6 =	vadd.s32 v1, v9  }
0x29: {  	[tilespmem:v13+s13+$0x0] =	vst.idx.msk $0xffff, v7;
	v10 =	vld [tilespmem:s22+$0xFFFFFF90]  }
0x2a: {  	v7 =	vld [tilespmem:s22+$0xFFFFFFD0];
	[tilespmem:v11+s13+$0x0] =	vst.idx.msk $0xffff, v4  }
0x2b: {  	v11 =	vld [tilespmem:s22+$0x10];
	v4 =	vmul.f32 $8.000000000e+00, v5  }
0x2c: {  	s29 =	simm.s32 $0x4;
	s24 =	simm.s32 $0x7;
	s21 =	simm.s32 $0x6580;
	v12 =	vadd.s32 v1, v15  }
0x2d: {  	v14 =	vld [tilespmem:s21+$0x40];
	v13 =	vadd.s32 v1, v17;
	v5 =	vmov s29;
	[tilespmem:v6+s13+$0x0] =	vst.idx.msk $0xffff, v4;
	v6 =	vmov s24  }
0x2e: {  	v16 =	vadd.s32 v1, v8;
	v4 =	vand.u32 $0xFC, v5;
	v5 =	vand.u32 $0xFF, v6;
	v18 =	vld [tilespmem:s22+$0x60]  }
0x2f: {  	s30 =	simm.s32 $0x5;
	v22 =	vadd.s32 v2, v9;
	v19 =	vld [tilespmem:s21+$0xFFFFFF80];
	v6 =	vmul.f32 $8.000000000e+00, v7;
	v20 =	vadd.s32 v0, v5  }
0x30: {  	s31 =	simm.s32 $0x6;
	v21 =	vld [tilespmem:s21+$0xFFFFFFC0];
	v10 =	vmul.f32 $8.000000000e+00, v10;
	v7 =	vmul.f32 $8.000000000e+00, v11;
	v11 =	vmov s30  }
0x31: {  	v23 =	vadd.s32 v0, v4;
	[tilespmem:v12+s13+$0x0] =	vst.idx.msk $0xffff, v6;
	v12 =	vmov s31;
	v6 =	vand.u32 $0xFD, v11;
	v11 =	vld [tilespmem:s21+$0x0]  }
0x32: {  	[tilespmem:v13+s13+$0x0] =	vst.idx.msk $0xffff, v7;
	v13 =	vadd.s32 v0, v6;
	v7 =	vand.u32 $0xFE, v12;
	v12 =	vmul.f32 $8.000000000e+00, v14;
	v14 =	vld [tilespmem:s22+$0xFFFFFFE0]  }
0x33: {  	[tilespmem:v16+s13+$0x0] =	vst.idx.msk $0xffff, v10;
	v10 =	vadd.s32 v0, v7;
	v16 =	vld [tilespmem:s22+$0x20];
	v18 =	vmul.f32 $8.000000000e+00, v18  }
0x34: {  	v19 =	vmul.f32 $8.000000000e+00, v19;
	[tilespmem:v20+s13+$0x0] =	vst.idx.msk $0xffff, v12;
	v12 =	vld [tilespmem:s22+$0xFFFFFFA0];
	v20 =	vadd.s32 v2, v15  }
0x35: {  	v25 =	vadd.s32 v2, v17;
	v21 =	vmul.f32 $8.000000000e+00, v21;
	v24 =	vld [tilespmem:s21+$0x50];
	[tilespmem:v22+s13+$0x0] =	vst.idx.msk $0xffff, v18  }
0x36: {  	[tilespmem:v23+s13+$0x0] =	vst.idx.msk $0xffff, v19;
	v19 =	vadd.s32 v2, v8;
	v11 =	vmul.f32 $8.000000000e+00, v11;
	v22 =	vld [tilespmem:s22+$0x70]  }
0x37: {  	v23 =	vld [tilespmem:s21+$0xFFFFFF90];
	[tilespmem:v13+s13+$0x0] =	vst.idx.msk $0xffff, v21;
	v21 =	vadd.s32 v1, v5;
	v14 =	vmul.f32 $8.000000000e+00, v14  }
0x38: {  	v27 =	vadd.s32 v3, v9;
	v26 =	vld [tilespmem:s21+$0xFFFFFFD0];
	[tilespmem:v10+s13+$0x0] =	vst.idx.msk $0xffff, v11;
	v10 =	vmul.f32 $8.000000000e+00, v16  }
0x39: {  	v18 =	vadd.s32 v1, v4;
	v13 =	vld [tilespmem:s21+$0x10];
	v9 =	vmul.f32 $8.000000000e+00, v12;
	[tilespmem:v20+s13+$0x0] =	vst.idx.msk $0xffff, v14  }
0x3a: {  	s24 =	simm.s32 $0x8;
	v16 =	vadd.s32 v1, v6;
	[tilespmem:v25+s13+$0x0] =	vst.idx.msk $0xffff, v10;
	v14 =	vmul.f32 $8.000000000e+00, v24;
	v12 =	vld [tilespmem:s22+$0xFFFFFFF0]  }
0x3b: {  	v20 =	vmov s24;
	v10 =	vadd.s32 v1, v7;
	v11 =	vld [tilespmem:s22+$0x30];
	[tilespmem:v19+s13+$0x0] =	vst.idx.msk $0xffff, v9;
	v63 =	vmul.f32 $8.000000000e+00, v22  }
0x3c: {  	s25 =	simm.s32 $0xB;
	s23 =	simm.s32 $0x6680;
	v15 =	vadd.s32 v3, v15;
	v9 =	vand.u32 $0xFC, v20;
	v20 =	vmul.f32 $8.000000000e+00, v23;
	[tilespmem:v21+s13+$0x0] =	vst.idx.msk $0xffff, v14;
	v14 =	vld [tilespmem:s22+$0xFFFFFFB0]  }
0x3d: {  	v17 =	vadd.s32 v3, v17;
	v22 =	vmov s25;
	v19 =	vld [tilespmem:s23+$0x40];
	s25 =	simm.s32 $0xC;
	s22 =	sshll.u32 s19, $0x1;
	v21 =	vmul.f32 $8.000000000e+00, v26;
	[tilespmem:v27+s13+$0x0] =	vst.idx.msk $0xffff, v63  }
.LBB2_3:
0x3e: {  	p1 =	slt.u32 s25, $0xFC;
	s26 =	sadd.s32 $0x1, s24;
	v22 =	vand.u32 $0xFF, v22;
	[tilespmem:v18+s13+$0x0] =	vst.idx.msk $0xffff, v20;
	v13 =	vmul.f32 $8.000000000e+00, v13;
	v18 =	vld [tilespmem:s21+$0x60];
	v20 =	vadd.s32 v3, v8;
	v8 =	vmovc v4  }
0x3f: {  	v4 =	vmovc v9;
	v23 =	vld [tilespmem:s23+$0xFFFFFF80];
	v24 =	vmov s26;
	s26 =	sadd.s32 $0x2, s24;
	v25 =	vadd.s32 v0, v22;
	[tilespmem:v16+s13+$0x0] =	vst.idx.msk $0xffff, v21;
	v12 =	vmul.f32 $8.000000000e+00, v12;
	s24 =	smov.u32 s25  }
0x40: {  	v9 =	vld [tilespmem:s23+$0xFFFFFFC0];
	v16 =	vmov s26;
	[tilespmem:v10+s13+$0x0] =	vst.idx.msk $0xffff, v13;
	v10 =	vadd.s32 v2, v5;
	v11 =	vmul.f32 $8.000000000e+00, v11  }
0x41: {  	v13 =	vadd.s32 v0, v4;
	v21 =	vand.u32 $0xFD, v24;
	v24 =	vld [tilespmem:s23+$0x0];
	v14 =	vmul.f32 $8.000000000e+00, v14;
	[tilespmem:v15+s13+$0x0] =	vst.idx.msk $0xffff, v12  }
0x42: {  	v12 =	vadd.s32 v0, v21;
	v26 =	vand.u32 $0xFE, v16;
	v15 =	vmul.f32 $8.000000000e+00, v19;
	v16 =	vld [tilespmem:s21+$0xFFFFFFE0];
	[tilespmem:v17+s13+$0x0] =	vst.idx.msk $0xffff, v11  }
0x43: {  	v11 =	vadd.s32 v0, v26;
	v17 =	vld [tilespmem:s21+$0x20];
	v18 =	vmul.f32 $8.000000000e+00, v18;
	[tilespmem:v20+s13+$0x0] =	vst.idx.msk $0xffff, v14  }
0x44: {  	v19 =	vadd.s32 v2, v6;
	v14 =	vmul.f32 $8.000000000e+00, v23;
	[tilespmem:v25+s13+$0x0] =	vst.idx.msk $0xffff, v15;
	v15 =	vld [tilespmem:s21+$0xFFFFFFA0]  }
0x45: {  	v23 =	vadd.s32 v2, v7;
	v9 =	vmul.f32 $8.000000000e+00, v9;
	v20 =	vld [tilespmem:s23+$0x50];
	[tilespmem:v10+s13+$0x0] =	vst.idx.msk $0xffff, v18  }
0x46: {  	[tilespmem:v13+s13+$0x0] =	vst.idx.msk $0xffff, v14;
	v10 =	vmul.f32 $8.000000000e+00, v24;
	v14 =	vadd.s32 v2, v8;
	v24 =	vld [tilespmem:s21+$0x70]  }
0x47: {  	v27 =	vadd.s32 v1, v22;
	v25 =	vld [tilespmem:s23+$0xFFFFFF90];
	[tilespmem:v12+s13+$0x0] =	vst.idx.msk $0xffff, v9;
	v9 =	vmul.f32 $8.000000000e+00, v16  }
0x48: {  	v29 =	vadd.s32 v3, v5;
	v5 =	vmov v22;
	v28 =	vld [tilespmem:s23+$0xFFFFFFD0];
	[tilespmem:v11+s13+$0x0] =	vst.idx.msk $0xffff, v10;
	v10 =	vmul.f32 $8.000000000e+00, v17  }
.Ltmp0:
0x49: {  	v18 =	vadd.s32 v1, v4;
	v13 =	vld [tilespmem:s23+$0x10];
	v11 =	vmul.f32 $8.000000000e+00, v15;
	[tilespmem:v19+s13+$0x0] =	vst.idx.msk $0xffff, v9;
	(pc) =	sbr.rel @p1 .LBB2_3-.Ltmp0, $4  }
0x4a: {  	v16 =	vadd.s32 v1, v21;
	v15 =	vmul.f32 $8.000000000e+00, v20;
	v12 =	vld [tilespmem:s21+$0xFFFFFFF0];
	[tilespmem:v23+s13+$0x0] =	vst.idx.msk $0xffff, v10  }
0x4b: {  	v9 =	vmov s25;
	v10 =	vadd.s32 v1, v26;
	[tilespmem:v14+s13+$0x0] =	vst.idx.msk $0xffff, v11;
	v11 =	vld [tilespmem:s21+$0x30];
	v23 =	vmul.f32 $8.000000000e+00, v24  }
0x4c: {  	s26 =	sadd.s32 $0x3, s25;
	v9 =	vand.u32 $0xFC, v9;
	v20 =	vmul.f32 $8.000000000e+00, v25;
	[tilespmem:v27+s13+$0x0] =	vst.idx.msk $0xffff, v15;
	v14 =	vld [tilespmem:s21+$0xFFFFFFB0];
	v15 =	vadd.s32 v3, v6;
	v6 =	vmovc v21;
	s21 =	smov.u32 s23;
	s23 =	sadd.s32 $0x100, s23  }
0x4d: {  	v22 =	vmov s26;
	v17 =	vadd.s32 v3, v7;
	v7 =	vmovc v26;
	s25 =	sadd.s32 $0x4, s25;
	v19 =	vld [tilespmem:s23+$0x40];
	v21 =	vmul.f32 $8.000000000e+00, v28;
	[tilespmem:v29+s13+$0x0] =	vst.idx.msk $0xffff, v23  }
0x4e: {  	s25 =	sadd.s32 $0x1, s24;
	v22 =	vand.u32 $0xFF, v22;
	v28 =	vld [tilespmem:s23+$0xFFFFFF80]  }
0x4f: {  	s31 =	sadd.s32 $0x2, s24;
	v24 =	vld [tilespmem:s23+$0xFFFFFFC0];
	v23 =	vmov s25;
	v25 =	vadd.s32 v0, v22  }
0x50: {  	v27 =	vld [tilespmem:s23+$0x0];
	v51 =	vadd.s32 v0, v9;
	v26 =	vmov s31;
	v23 =	vand.u32 $0xFD, v23  }
0x51: {  	v26 =	vand.u32 $0xFE, v26;
	v29 =	vadd.s32 v0, v23  }
0x52: {  	[tilespmem:v18+s13+$0x0] =	vst.idx.msk $0xffff, v20;
	v30 =	vadd.s32 v0, v26;
	v19 =	vmul.f32 $8.000000000e+00, v19  }
0x53: {  	[tilespmem:v16+s13+$0x0] =	vst.idx.msk $0xffff, v21;
	v54 =	vmul.f32 $8.000000000e+00, v28  }
0x54: {  	v52 =	vmul.f32 $8.000000000e+00, v24;
	[tilespmem:v25+s13+$0x0] =	vst.idx.msk $0xffff, v19  }
0x55: {  	v53 =	vmul.f32 $8.000000000e+00, v27;
	v55 =	vld [tilespmem:s23+$0x50];
	[tilespmem:v51+s13+$0x0] =	vst.idx.msk $0xffff, v54  }
0x56: {  	v13 =	vmul.f32 $8.000000000e+00, v13;
	v8 =	vadd.s32 v3, v8;
	[tilespmem:v29+s13+$0x0] =	vst.idx.msk $0xffff, v52;
	v59 =	vld [tilespmem:s23+$0xFFFFFF90]  }
0x57: {  	v12 =	vmul.f32 $8.000000000e+00, v12;
	v57 =	vadd.s32 v1, v22;
	[tilespmem:v30+s13+$0x0] =	vst.idx.msk $0xffff, v53;
	v56 =	vld [tilespmem:s23+$0xFFFFFFD0]  }
0x58: {  	[tilespmem:v10+s13+$0x0] =	vst.idx.msk $0xffff, v13;
	v58 =	vmul.f32 $8.000000000e+00, v11;
	v28 =	vadd.s32 v1, v9;
	v19 =	vld [tilespmem:s23+$0x10]  }
0x59: {  	v61 =	vld [tilespmem:s21+$0x60];
	v60 =	vadd.s32 v1, v23;
	v14 =	vmul.f32 $8.000000000e+00, v14;
	[tilespmem:v15+s13+$0x0] =	vst.idx.msk $0xffff, v12  }
0x5a: {  	v32 =	vld [tilespmem:s21+$0xFFFFFFA0];
	v62 =	vadd.s32 v1, v26;
	[tilespmem:v17+s13+$0x0] =	vst.idx.msk $0xffff, v58;
	v16 =	vmul.f32 $8.000000000e+00, v55  }
0x5b: {  	[tilespmem:v8+s13+$0x0] =	vst.idx.msk $0xffff, v14;
	v29 =	vadd.s32 v2, v5;
	v30 =	vld [tilespmem:s21+$0x20];
	v11 =	vmul.f32 $8.000000000e+00, v59  }
0x5c: {  	v38 =	vadd.s32 v2, v4;
	v63 =	vld [tilespmem:s21+$0xFFFFFFE0];
	v31 =	vmul.f32 $8.000000000e+00, v56;
	[tilespmem:v57+s13+$0x0] =	vst.idx.msk $0xffff, v16  }
0x5d: {  	v35 =	vadd.s32 v2, v7;
	v34 =	vmul.f32 $8.000000000e+00, v19;
	v36 =	vld [tilespmem:s23+$0x60];
	[tilespmem:v28+s13+$0x0] =	vst.idx.msk $0xffff, v11  }
0x5e: {  	v33 =	vadd.s32 v2, v6;
	v37 =	vmul.f32 $8.000000000e+00, v61;
	[tilespmem:v60+s13+$0x0] =	vst.idx.msk $0xffff, v31;
	v43 =	vld [tilespmem:s23+$0xFFFFFFA0]  }
0x5f: {  	v40 =	vadd.s32 v2, v22;
	v14 =	vmul.f32 $8.000000000e+00, v32;
	[tilespmem:v62+s13+$0x0] =	vst.idx.msk $0xffff, v34;
	v39 =	vld [tilespmem:s23+$0xFFFFFFE0]  }
0x60: {  	v48 =	vadd.s32 v2, v9;
	[tilespmem:v29+s13+$0x0] =	vst.idx.msk $0xffff, v37;
	v42 =	vmul.f32 $8.000000000e+00, v30;
	v41 =	vld [tilespmem:s23+$0x20]  }
0x61: {  	v44 =	vadd.s32 v2, v23;
	v15 =	vmul.f32 $8.000000000e+00, v63;
	[tilespmem:v38+s13+$0x0] =	vst.idx.msk $0xffff, v14;
	v45 =	vld [tilespmem:s21+$0x70]  }
0x62: {  	v46 =	vadd.s32 v2, v26;
	v14 =	vld [tilespmem:s21+$0xFFFFFFB0];
	[tilespmem:v35+s13+$0x0] =	vst.idx.msk $0xffff, v42;
	v47 =	vmul.f32 $8.000000000e+00, v36  }
0x63: {  	v5 =	vadd.s32 v3, v5;
	[tilespmem:v33+s13+$0x0] =	vst.idx.msk $0xffff, v15;
	v49 =	vld [tilespmem:s21+$0x30];
	v53 =	vmul.f32 $8.000000000e+00, v43  }
0x64: {  	v4 =	vadd.s32 v3, v4;
	v21 =	vld [tilespmem:s21+$0xFFFFFFF0];
	v12 =	vmul.f32 $8.000000000e+00, v39;
	[tilespmem:v40+s13+$0x0] =	vst.idx.msk $0xffff, v47  }
0x65: {  	v52 =	vadd.s32 v3, v7;
	v51 =	vmul.f32 $8.000000000e+00, v41;
	v10 =	vld [tilespmem:s23+$0x70];
	[tilespmem:v48+s13+$0x0] =	vst.idx.msk $0xffff, v53  }
0x66: {  	v50 =	vadd.s32 v3, v6;
	v54 =	vmul.f32 $8.000000000e+00, v45;
	[tilespmem:v44+s13+$0x0] =	vst.idx.msk $0xffff, v12;
	v59 =	vld [tilespmem:s23+$0xFFFFFFB0]  }
0x67: {  	v57 =	vadd.s32 v3, v22;
	v14 =	vmul.f32 $8.000000000e+00, v14;
	[tilespmem:v46+s13+$0x0] =	vst.idx.msk $0xffff, v51;
	v55 =	vld [tilespmem:s23+$0xFFFFFFF0]  }
0x68: {  	v62 =	vadd.s32 v3, v9;
	[tilespmem:v5+s13+$0x0] =	vst.idx.msk $0xffff, v54;
	v5 =	vmul.f32 $8.000000000e+00, v49;
	v58 =	vld [tilespmem:s23+$0x30]  }
0x69: {  	v56 =	vmul.f32 $8.000000000e+00, v21;
	v60 =	vadd.s32 v3, v23;
	[tilespmem:v4+s13+$0x0] =	vst.idx.msk $0xffff, v14  }
0x6a: {  	v61 =	vadd.s32 v3, v26;
	[tilespmem:v52+s13+$0x0] =	vst.idx.msk $0xffff, v5;
	s23 =	sadd.s32 s5, s22;
	v5 =	vmul.f32 $8.000000000e+00, v10  }
0x6b: {  	[tilespmem:v50+s13+$0x0] =	vst.idx.msk $0xffff, v56;
	s22 =	sshll.u32 s23, $0xB;
	s21 =	sshll.u32 s23, $0xE;
	v63 =	vmul.f32 $8.000000000e+00, v59  }
0x6c: {  	s22 =	sand.u32 $0x7000, s22;
	s21 =	sand.u32 $0x7FFC0000, s21;
	v4 =	vmul.f32 $8.000000000e+00, v55;
	[tilespmem:v57+s13+$0x0] =	vst.idx.msk $0xffff, v5  }
0x6d: {  	s21 =	sor.u32 s22, s21;
	v5 =	vmul.f32 $8.000000000e+00, v58;
	[tilespmem:v62+s13+$0x0] =	vst.idx.msk $0xffff, v63  }
0x6e: {  	s21 =	sshrl.u32 s21, $0x3;
	[tilespmem:v60+s13+$0x0] =	vst.idx.msk $0xffff, v4  }
0x6f: {  	s24 =	simm.s32 $0xE400;
	s23 =	sadd.s32 s2, s21;
	[tilespmem:v61+s13+$0x0] =	vst.idx.msk $0xffff, v5  }
0x70: {  	[hbm4b:s23+s3] =	stream.linear.scatter [tilespmem:s24], [sflag:$0x3], $0x80, $0x38;
	[tilespmem:$0x16800] =	vst v63  }
0x71: {  	s25 =	simm.s32 $0xE508;
	s26 =	sadd.s32 $0x10, s23  }
0x72: {  	[hbm4b:s26+s3] =	stream.linear.scatter [tilespmem:s25], [sflag:$0x3], $0x80, $0x38;
	[tilespmem:$0x16800] =	vst v63  }
0x73: {  	s28 =	simm.s32 $0xE610;
	s30 =	simm.s32 $0xE718;
	s29 =	sadd.s32 $0x20, s23  }
0x74: {  	[hbm4b:s29+s3] =	stream.linear.scatter [tilespmem:s28], [sflag:$0x3], $0x80, $0x38;
	[tilespmem:$0x16800] =	vst v63  }
0x75: {  	s22 =	simm.s32 $0x840;
	s31 =	sadd.s32 $0x30, s23;
	s24 =	simm.s32 $0x4200  }
0x76: {  	[hbm4b:s31+s3] =	stream.linear.scatter [tilespmem:s30], [sflag:$0x3], $0x80, $0x38;
	[tilespmem:$0x16800] =	vst v63  }
0x77: {  	s25 =	simm.s32 $0xE820;
	s26 =	sadd.s32 $0x40, s23;
	s28 =	simm.s32 $0xE928  }
0x78: {  	[hbm4b:s26+s3] =	stream.linear.scatter [tilespmem:s25], [sflag:$0x3], $0x80, $0x38;
	[tilespmem:$0x16800] =	vst v63  }
0x79: {  	s29 =	sadd.s32 $0x50, s23;
	s30 =	simm.s32 $0xEA30;
	s31 =	sadd.s32 $0x60, s23  }
0x7a: {  	[hbm4b:s29+s3] =	stream.linear.scatter [tilespmem:s28], [sflag:$0x3], $0x80, $0x38;
	[tilespmem:$0x16800] =	vst v63  }
0x7b: {  	s25 =	simm.s32 $0xEB38;
	s26 =	sadd.s32 $0x70, s23;
	s23 =	sadd.s32 $0x1000, s23  }
0x7c: {  	[hbm4b:s31+s3] =	stream.linear.scatter [tilespmem:s30], [sflag:$0x3], $0x80, $0x38;
	[tilespmem:$0x16800] =	vst v63  }
.LBB2_5:
0x7d: {  	[hbm4b:s26+s3] =	stream.linear.scatter [tilespmem:s25], [sflag:$0x3], $0x80, $0x38;
	[tilespmem:$0x16800] =	vst v63  }
0x7e: {  	s25 =	smov.u32 s22;
	s22 =	smov.u32 s24  }
0x7f: {  	s28 =	sadd.s32 $0x2100, s24;
	s22 =	sshra.s32 s22, $0x2;
	s26 =	sadd.s32 $0xE400, s25  }
0x80: {  	[hbm4b:s23+s3] =	stream.linear.scatter [tilespmem:s26], [sflag:$0x3], $0x80, $0x38;
	[tilespmem:$0x16800] =	vst v63  }
0x81: {  	p1 =	sne.s32 s24, $0xE700;
	s24 =	sadd.s32 $0xE508, s25;
	s26 =	sadd.s32 $0x10, s23  }
0x82: {  	[hbm4b:s26+s3] =	stream.linear.scatter [tilespmem:s24], [sflag:$0x3], $0x80, $0x38;
	[tilespmem:$0x16800] =	vst v63  }
0x83: {  	s24 =	sadd.s32 $0xE610, s25;
	s26 =	sadd.s32 $0x20, s23  }
0x84: {  	[hbm4b:s26+s3] =	stream.linear.scatter [tilespmem:s24], [sflag:$0x3], $0x80, $0x38;
	[tilespmem:$0x16800] =	vst v63  }
0x85: {  	s24 =	sadd.s32 $0xE718, s25;
	s26 =	sadd.s32 $0x30, s23  }
0x86: {  	[hbm4b:s26+s3] =	stream.linear.scatter [tilespmem:s24], [sflag:$0x3], $0x80, $0x38;
	[tilespmem:$0x16800] =	vst v63  }
0x87: {  	s24 =	sadd.s32 $0xE820, s25;
	s26 =	sadd.s32 $0x40, s23  }
0x88: {  	[hbm4b:s26+s3] =	stream.linear.scatter [tilespmem:s24], [sflag:$0x3], $0x80, $0x38;
	[tilespmem:$0x16800] =	vst v63  }
.Ltmp1:
0x89: {  	s24 =	sadd.s32 $0xE928, s25;
	s26 =	sadd.s32 $0x50, s23;
	(pc) =	sbr.rel @p1 .LBB2_5-.Ltmp1, $4  }
0x8a: {  	[hbm4b:s26+s3] =	stream.linear.scatter [tilespmem:s24], [sflag:$0x3], $0x80, $0x38;
	[tilespmem:$0x16800] =	vst v63  }
0x8b: {  	s24 =	sadd.s32 $0xEA30, s25;
	s26 =	sadd.s32 $0x60, s23;
	s25 =	sadd.s32 $0xEB38, s25  }
0x8c: {  	[hbm4b:s26+s3] =	stream.linear.scatter [tilespmem:s24], [sflag:$0x3], $0x80, $0x38;
	[tilespmem:$0x16800] =	vst v63  }
0x8d: {  	s26 =	sadd.s32 $0x70, s23;
	s23 =	sadd.s32 $0x1000, s23;
	s24 =	smov.u32 s28  }
0x8e: {  	[hbm4b:s26+s3] =	stream.linear.scatter [tilespmem:s25], [sflag:$0x3], $0x80, $0x38;
	[tilespmem:$0x16800] =	vst v63  }
0x8f: {  	s24 =	sadd.s32 $0xE400, s22  }
0x90: {  	[hbm4b:s23+s3] =	stream.linear.scatter [tilespmem:s24], [sflag:$0x3], $0x80, $0x38;
	[tilespmem:$0x16800] =	vst v63  }
0x91: {  	s25 =	sadd.s32 $0xE508, s22;
	s26 =	sadd.s32 $0x10, s23  }
0x92: {  	[hbm4b:s26+s3] =	stream.linear.scatter [tilespmem:s25], [sflag:$0x3], $0x80, $0x38;
	[tilespmem:$0x16800] =	vst v63  }
0x93: {  	s28 =	sadd.s32 $0xE610, s22;
	s29 =	sadd.s32 $0x20, s23  }
0x94: {  	[hbm4b:s29+s3] =	stream.linear.scatter [tilespmem:s28], [sflag:$0x3], $0x80, $0x38;
	[tilespmem:$0x16800] =	vst v63  }
0x95: {  	s30 =	sadd.s32 $0xE718, s22;
	s31 =	sadd.s32 $0x30, s23  }
0x96: {  	[hbm4b:s31+s3] =	stream.linear.scatter [tilespmem:s30], [sflag:$0x3], $0x80, $0x38;
	[tilespmem:$0x16800] =	vst v63  }
0x97: {  	s25 =	sadd.s32 $0xE820, s22;
	s26 =	sadd.s32 $0x40, s23  }
0x98: {  	[hbm4b:s26+s3] =	stream.linear.scatter [tilespmem:s25], [sflag:$0x3], $0x80, $0x38;
	[tilespmem:$0x16800] =	vst v63  }
0x99: {  	s28 =	sadd.s32 $0xE928, s22;
	s29 =	sadd.s32 $0x50, s23  }
0x9a: {  	[hbm4b:s29+s3] =	stream.linear.scatter [tilespmem:s28], [sflag:$0x3], $0x80, $0x38;
	[tilespmem:$0x16800] =	vst v63  }
0x9b: {  	s30 =	sadd.s32 $0xEA30, s22;
	s31 =	sadd.s32 $0x60, s23  }
0x9c: {  	[hbm4b:s31+s3] =	stream.linear.scatter [tilespmem:s30], [sflag:$0x3], $0x80, $0x38;
	[tilespmem:$0x16800] =	vst v63  }
0x9d: {  	s21 =	sadd.s32 s21, s2;
	s24 =	sadd.s32 $0xEB38, s22;
	s25 =	sadd.s32 $0x70, s23  }
0x9e: {  	[hbm4b:s25+s3] =	stream.linear.scatter [tilespmem:s24], [sflag:$0x3], $0x80, $0x38;
	[tilespmem:$0x16800] =	vst v63  }
0x9f: {  	s22 =	sadd.s32 $0x80, s21;
	s26 =	simm.s32 $0xE480  }
0xa0: {  	[hbm4b:s22+s3] =	stream.linear.scatter [tilespmem:s26], [sflag:$0x3], $0x80, $0x38;
	[tilespmem:$0x16800] =	vst v63  }
0xa1: {  	s28 =	simm.s32 $0xE588;
	s29 =	sadd.s32 $0x10, s22  }
0xa2: {  	[hbm4b:s29+s3] =	stream.linear.scatter [tilespmem:s28], [sflag:$0x3], $0x80, $0x38;
	[tilespmem:$0x16800] =	vst v63  }
0xa3: {  	s21 =	simm.s32 $0x840;
	s30 =	simm.s32 $0xE690;
	s31 =	sadd.s32 $0x20, s22  }
0xa4: {  	[hbm4b:s31+s3] =	stream.linear.scatter [tilespmem:s30], [sflag:$0x3], $0x80, $0x38;
	[tilespmem:$0x16800] =	vst v63  }
0xa5: {  	s23 =	simm.s32 $0xE798;
	s24 =	sadd.s32 $0x30, s22;
	s25 =	simm.s32 $0xE8A0  }
0xa6: {  	[hbm4b:s24+s3] =	stream.linear.scatter [tilespmem:s23], [sflag:$0x3], $0x80, $0x38;
	[tilespmem:$0x16800] =	vst v63  }
0xa7: {  	s26 =	sadd.s32 $0x40, s22;
	s28 =	simm.s32 $0xE9A8;
	s29 =	sadd.s32 $0x50, s22  }
0xa8: {  	[hbm4b:s26+s3] =	stream.linear.scatter [tilespmem:s25], [sflag:$0x3], $0x80, $0x38;
	[tilespmem:$0x16800] =	vst v63  }
0xa9: {  	s30 =	simm.s32 $0xEAB0;
	s31 =	sadd.s32 $0x60, s22;
	s23 =	simm.s32 $0x4200  }
0xaa: {  	[hbm4b:s29+s3] =	stream.linear.scatter [tilespmem:s28], [sflag:$0x3], $0x80, $0x38;
	[tilespmem:$0x16800] =	vst v63  }
0xab: {  	s24 =	simm.s32 $0xEBB8;
	s25 =	sadd.s32 $0x70, s22;
	s22 =	sadd.s32 $0x1000, s22  }
0xac: {  	[hbm4b:s31+s3] =	stream.linear.scatter [tilespmem:s30], [sflag:$0x3], $0x80, $0x38;
	[tilespmem:$0x16800] =	vst v63  }
.LBB2_7:
0xad: {  	[hbm4b:s25+s3] =	stream.linear.scatter [tilespmem:s24], [sflag:$0x3], $0x80, $0x38;
	[tilespmem:$0x16800] =	vst v63  }
0xae: {  	s24 =	smov.u32 s21;
	s21 =	smov.u32 s23  }
0xaf: {  	s26 =	sadd.s32 $0x2100, s23;
	s21 =	sshra.s32 s21, $0x2;
	s25 =	sadd.s32 $0xE480, s24  }
0xb0: {  	[hbm4b:s22+s3] =	stream.linear.scatter [tilespmem:s25], [sflag:$0x3], $0x80, $0x38;
	[tilespmem:$0x16800] =	vst v63  }
0xb1: {  	p1 =	sne.s32 s23, $0xE700;
	s23 =	sadd.s32 $0xE588, s24;
	s25 =	sadd.s32 $0x10, s22  }
0xb2: {  	[hbm4b:s25+s3] =	stream.linear.scatter [tilespmem:s23], [sflag:$0x3], $0x80, $0x38;
	[tilespmem:$0x16800] =	vst v63  }
0xb3: {  	s23 =	sadd.s32 $0xE690, s24;
	s25 =	sadd.s32 $0x20, s22  }
0xb4: {  	[hbm4b:s25+s3] =	stream.linear.scatter [tilespmem:s23], [sflag:$0x3], $0x80, $0x38;
	[tilespmem:$0x16800] =	vst v63  }
0xb5: {  	s23 =	sadd.s32 $0xE798, s24;
	s25 =	sadd.s32 $0x30, s22  }
0xb6: {  	[hbm4b:s25+s3] =	stream.linear.scatter [tilespmem:s23], [sflag:$0x3], $0x80, $0x38;
	[tilespmem:$0x16800] =	vst v63  }
0xb7: {  	s23 =	sadd.s32 $0xE8A0, s24;
	s25 =	sadd.s32 $0x40, s22  }
0xb8: {  	[hbm4b:s25+s3] =	stream.linear.scatter [tilespmem:s23], [sflag:$0x3], $0x80, $0x38;
	[tilespmem:$0x16800] =	vst v63  }
.Ltmp2:
0xb9: {  	s23 =	sadd.s32 $0xE9A8, s24;
	s25 =	sadd.s32 $0x50, s22;
	(pc) =	sbr.rel @p1 .LBB2_7-.Ltmp2, $4  }
0xba: {  	[hbm4b:s25+s3] =	stream.linear.scatter [tilespmem:s23], [sflag:$0x3], $0x80, $0x38;
	[tilespmem:$0x16800] =	vst v63  }
0xbb: {  	s23 =	sadd.s32 $0xEAB0, s24;
	s25 =	sadd.s32 $0x60, s22;
	s24 =	sadd.s32 $0xEBB8, s24  }
0xbc: {  	[hbm4b:s25+s3] =	stream.linear.scatter [tilespmem:s23], [sflag:$0x3], $0x80, $0x38;
	[tilespmem:$0x16800] =	vst v63  }
0xbd: {  	s25 =	sadd.s32 $0x70, s22;
	s22 =	sadd.s32 $0x1000, s22;
	s23 =	smov.u32 s26  }
0xbe: {  	[hbm4b:s25+s3] =	stream.linear.scatter [tilespmem:s24], [sflag:$0x3], $0x80, $0x38;
	[tilespmem:$0x16800] =	vst v63  }
0xbf: {  	s23 =	sadd.s32 $0xE480, s21  }
0xc0: {  	[hbm4b:s22+s3] =	stream.linear.scatter [tilespmem:s23], [sflag:$0x3], $0x80, $0x38;
	[tilespmem:$0x16800] =	vst v63  }
0xc1: {  	s30 =	sadd.s32 $0xE588, s21;
	s31 =	sadd.s32 $0x10, s22  }
0xc2: {  	[hbm4b:s31+s3] =	stream.linear.scatter [tilespmem:s30], [sflag:$0x3], $0x80, $0x38;
	[tilespmem:$0x16800] =	vst v63  }
0xc3: {  	s25 =	sadd.s32 $0xE690, s21;
	s26 =	sadd.s32 $0x20, s22  }
0xc4: {  	[hbm4b:s26+s3] =	stream.linear.scatter [tilespmem:s25], [sflag:$0x3], $0x80, $0x38;
	[tilespmem:$0x16800] =	vst v63  }
0xc5: {  	s28 =	sadd.s32 $0xE798, s21;
	s29 =	sadd.s32 $0x30, s22  }
0xc6: {  	[hbm4b:s29+s3] =	stream.linear.scatter [tilespmem:s28], [sflag:$0x3], $0x80, $0x38;
	[tilespmem:$0x16800] =	vst v63  }
0xc7: {  	s30 =	sadd.s32 $0xE8A0, s21;
	s31 =	sadd.s32 $0x40, s22  }
0xc8: {  	[hbm4b:s31+s3] =	stream.linear.scatter [tilespmem:s30], [sflag:$0x3], $0x80, $0x38;
	[tilespmem:$0x16800] =	vst v63  }
0xc9: {  	p1 =	sne.s32 s19, $0x31;
	s25 =	sadd.s32 $0xE9A8, s21;
	s26 =	sadd.s32 $0x50, s22  }
0xca: {  	[hbm4b:s26+s3] =	stream.linear.scatter [tilespmem:s25], [sflag:$0x3], $0x80, $0x38;
	[tilespmem:$0x16800] =	vst v63  }
.Ltmp3:
0xcb: {  	_ = 	snop;
	(pc) =	sbr.rel @p1 .LBB2_10-.Ltmp3, $4  }
0xcc: {  	s28 =	sadd.s32 $0xEAB0, s21;
	s29 =	sadd.s32 $0x60, s22  }
0xcd: {  	[hbm4b:s29+s3] =	stream.linear.scatter [tilespmem:s28], [sflag:$0x3], $0x80, $0x38;
	[tilespmem:$0x16800] =	vst v63  }
0xce: {  	s30 =	sadd.s32 $0xEBB8, s21;
	s31 =	sadd.s32 $0x70, s22  }
0xcf: {  	[hbm4b:s31+s3] =	stream.linear.scatter [tilespmem:s30], [sflag:$0x3], $0x80, $0x38;
	[tilespmem:$0x16800] =	vst v63  }
.Ltmp4:
0xd0: {  	(pc) =	sbr.rel .LBB2_11-.Ltmp4, $4  }
0xd1: {  	_ = 	snop  }
0xd2: {  	_ =	swait.ge [sflag:s14], $0x4000  }
0xd3: {  	[sflag:s14] =	ssyncset.done $0x0  }
0xd4: {  	[sflag:s14] =	ssyncadd.s32 $0xFFFFC000  }
.LBB2_10:
0xd5: {  	s21 =	sshll.u32 s19, $0x9  }
0xd6: {  	s21 =	sand.u32 $0x3FFFFE00, s21  }
.Ltmp5:
0xd7: {  	s21 =	sadd.s32 $0x200, s21;
	(pc) =	sbr.rel @p0 .LBB2_12-.Ltmp5, $4  }
0xd8: {  	[tilespmem:s10], [sflag:$0x1] =	stream.indirect.gather [hbm4b:s4+s9], $0x40, s21, s9, $0xb8;
	[tilespmem:$0x16800] =	vst v63  }
0xd9: {  	_ =	swait.ge [sflag:s14], $0x4000  }
0xda: {  	[sflag:s14] =	ssyncset.done $0x0  }
0xdb: {  	[sflag:s14] =	ssyncadd.s32 $0xFFFFC000  }
.LBB2_11:
0xdc: {  	_ =	swait.ge [sflag:s15], $0x2000  }
0xdd: {  	[sflag:s15] =	ssyncset.done $0x0  }
0xde: {  	[sflag:s15] =	ssyncadd.s32 $0xFFFFE000  }
0xdf: {  	_ =	swait.ge [sflag:s15], $0x2000  }
0xe0: {  	[sflag:s15] =	ssyncset.done $0x0  }
0xe1: {  	[sflag:s15] =	ssyncadd.s32 $0xFFFFE000  }
.LBB2_12:
0xe2: {  	s24 =	simm.s32 $0xA480;
	s21 =	simm.s32 $0x3  }
0xe3: {  	v4 =	vmov s21;
	v5 =	vld [tilespmem:s24+$0x40]  }
0xe4: {  	v9 =	vand.u32 $0xFF, v4  }
0xe5: {  	s26 =	simm.s32 $0x0;
	v4 =	vadd.s32 v0, v9  }
0xe6: {  	s28 =	simm.s32 $0x1;
	s22 =	simm.s32 $0x2;
	v6 =	vmov s26;
	v7 =	vld [tilespmem:s24+$0xFFFFFF80]  }
0xe7: {  	v10 =	vld [tilespmem:s24+$0xFFFFFFC0];
	v11 =	vmov s22;
	v8 =	vand.u32 $0xFC, v6;
	v6 =	vmov s28  }
0xe8: {  	v12 =	vadd.s32 v0, v8;
	v15 =	vand.u32 $0xFD, v6;
	v6 =	vld [tilespmem:s24+$0x0];
	v5 =	vmul.f32 $8.000000000e+00, v5  }
0xe9: {  	v17 =	vand.u32 $0xFE, v11;
	v13 =	vadd.s32 v0, v15  }
0xea: {  	v11 =	vadd.s32 v0, v17;
	[tilespmem:v4+s16+$0x0] =	vst.idx.msk $0xffff, v5  }
0xeb: {  	v4 =	vmul.f32 $8.000000000e+00, v7;
	v5 =	vld [tilespmem:s24+$0x50]  }
0xec: {  	v7 =	vmul.f32 $8.000000000e+00, v10  }
0xed: {  	[tilespmem:v12+s16+$0x0] =	vst.idx.msk $0xffff, v4;
	v4 =	vmul.f32 $8.000000000e+00, v6;
	v6 =	vadd.s32 v1, v9  }
0xee: {  	[tilespmem:v13+s16+$0x0] =	vst.idx.msk $0xffff, v7;
	v10 =	vld [tilespmem:s24+$0xFFFFFF90]  }
0xef: {  	v7 =	vld [tilespmem:s24+$0xFFFFFFD0];
	[tilespmem:v11+s16+$0x0] =	vst.idx.msk $0xffff, v4  }
0xf0: {  	v11 =	vld [tilespmem:s24+$0x10];
	v4 =	vmul.f32 $8.000000000e+00, v5  }
0xf1: {  	s29 =	simm.s32 $0x4;
	s23 =	simm.s32 $0x7;
	s21 =	simm.s32 $0xA580;
	v12 =	vadd.s32 v1, v15  }
0xf2: {  	v14 =	vld [tilespmem:s21+$0x40];
	v13 =	vadd.s32 v1, v17;
	v5 =	vmov s29;
	[tilespmem:v6+s16+$0x0] =	vst.idx.msk $0xffff, v4;
	v6 =	vmov s23  }
0xf3: {  	v16 =	vadd.s32 v1, v8;
	v4 =	vand.u32 $0xFC, v5;
	v5 =	vand.u32 $0xFF, v6;
	v18 =	vld [tilespmem:s24+$0x60]  }
0xf4: {  	s30 =	simm.s32 $0x5;
	v19 =	vld [tilespmem:s21+$0xFFFFFF80];
	v22 =	vadd.s32 v2, v9;
	v6 =	vmul.f32 $8.000000000e+00, v7;
	v20 =	vadd.s32 v0, v5  }
0xf5: {  	s31 =	simm.s32 $0x6;
	v21 =	vld [tilespmem:s21+$0xFFFFFFC0];
	v10 =	vmul.f32 $8.000000000e+00, v10;
	v7 =	vmul.f32 $8.000000000e+00, v11;
	v11 =	vmov s30  }
0xf6: {  	v23 =	vadd.s32 v0, v4;
	[tilespmem:v12+s16+$0x0] =	vst.idx.msk $0xffff, v6;
	v12 =	vmov s31;
	v6 =	vand.u32 $0xFD, v11;
	v11 =	vld [tilespmem:s21+$0x0]  }
0xf7: {  	[tilespmem:v13+s16+$0x0] =	vst.idx.msk $0xffff, v7;
	v13 =	vadd.s32 v0, v6;
	v7 =	vand.u32 $0xFE, v12;
	v12 =	vmul.f32 $8.000000000e+00, v14;
	v14 =	vld [tilespmem:s24+$0xFFFFFFE0]  }
0xf8: {  	[tilespmem:v16+s16+$0x0] =	vst.idx.msk $0xffff, v10;
	v10 =	vadd.s32 v0, v7;
	v16 =	vld [tilespmem:s24+$0x20];
	v18 =	vmul.f32 $8.000000000e+00, v18  }
0xf9: {  	v19 =	vmul.f32 $8.000000000e+00, v19;
	[tilespmem:v20+s16+$0x0] =	vst.idx.msk $0xffff, v12;
	v12 =	vld [tilespmem:s24+$0xFFFFFFA0];
	v20 =	vadd.s32 v2, v15  }
0xfa: {  	v25 =	vadd.s32 v2, v17;
	v21 =	vmul.f32 $8.000000000e+00, v21;
	v24 =	vld [tilespmem:s21+$0x50];
	[tilespmem:v22+s16+$0x0] =	vst.idx.msk $0xffff, v18  }
0xfb: {  	[tilespmem:v23+s16+$0x0] =	vst.idx.msk $0xffff, v19;
	v19 =	vadd.s32 v2, v8;
	v11 =	vmul.f32 $8.000000000e+00, v11;
	v22 =	vld [tilespmem:s24+$0x70]  }
0xfc: {  	v23 =	vld [tilespmem:s21+$0xFFFFFF90];
	[tilespmem:v13+s16+$0x0] =	vst.idx.msk $0xffff, v21;
	v21 =	vadd.s32 v1, v5;
	v14 =	vmul.f32 $8.000000000e+00, v14  }
0xfd: {  	v27 =	vadd.s32 v3, v9;
	v26 =	vld [tilespmem:s21+$0xFFFFFFD0];
	[tilespmem:v10+s16+$0x0] =	vst.idx.msk $0xffff, v11;
	v10 =	vmul.f32 $8.000000000e+00, v16  }
0xfe: {  	v18 =	vadd.s32 v1, v4;
	v13 =	vld [tilespmem:s21+$0x10];
	v9 =	vmul.f32 $8.000000000e+00, v12;
	[tilespmem:v20+s16+$0x0] =	vst.idx.msk $0xffff, v14  }
0xff: {  	s23 =	simm.s32 $0x8;
	v16 =	vadd.s32 v1, v6;
	[tilespmem:v25+s16+$0x0] =	vst.idx.msk $0xffff, v10;
	v14 =	vmul.f32 $8.000000000e+00, v24;
	v12 =	vld [tilespmem:s24+$0xFFFFFFF0]  }
0x100: {  	v20 =	vmov s23;
	v10 =	vadd.s32 v1, v7;
	v11 =	vld [tilespmem:s24+$0x30];
	[tilespmem:v19+s16+$0x0] =	vst.idx.msk $0xffff, v9;
	v63 =	vmul.f32 $8.000000000e+00, v22  }
0x101: {  	s25 =	simm.s32 $0xB;
	s22 =	simm.s32 $0xA680;
	v15 =	vadd.s32 v3, v15;
	v9 =	vand.u32 $0xFC, v20;
	v20 =	vmul.f32 $8.000000000e+00, v23;
	[tilespmem:v21+s16+$0x0] =	vst.idx.msk $0xffff, v14;
	v14 =	vld [tilespmem:s24+$0xFFFFFFB0]  }
0x102: {  	v17 =	vadd.s32 v3, v17;
	v22 =	vmov s25;
	v19 =	vld [tilespmem:s22+$0x40];
	s24 =	simm.s32 $0xC;
	v21 =	vmul.f32 $8.000000000e+00, v26;
	[tilespmem:v27+s16+$0x0] =	vst.idx.msk $0xffff, v63  }
.LBB2_13:
0x103: {  	p0 =	slt.u32 s24, $0xFC;
	s25 =	sadd.s32 $0x1, s23;
	v22 =	vand.u32 $0xFF, v22;
	[tilespmem:v18+s16+$0x0] =	vst.idx.msk $0xffff, v20;
	v13 =	vmul.f32 $8.000000000e+00, v13;
	v18 =	vld [tilespmem:s21+$0x60];
	v20 =	vadd.s32 v3, v8;
	v8 =	vmovc v4  }
0x104: {  	v4 =	vmovc v9;
	v23 =	vld [tilespmem:s22+$0xFFFFFF80];
	v24 =	vmov s25;
	s25 =	sadd.s32 $0x2, s23;
	v25 =	vadd.s32 v0, v22;
	[tilespmem:v16+s16+$0x0] =	vst.idx.msk $0xffff, v21;
	v12 =	vmul.f32 $8.000000000e+00, v12;
	s23 =	smov.u32 s24  }
0x105: {  	v9 =	vld [tilespmem:s22+$0xFFFFFFC0];
	v16 =	vmov s25;
	[tilespmem:v10+s16+$0x0] =	vst.idx.msk $0xffff, v13;
	v10 =	vadd.s32 v2, v5;
	v11 =	vmul.f32 $8.000000000e+00, v11  }
0x106: {  	v13 =	vadd.s32 v0, v4;
	v21 =	vand.u32 $0xFD, v24;
	v24 =	vld [tilespmem:s22+$0x0];
	v14 =	vmul.f32 $8.000000000e+00, v14;
	[tilespmem:v15+s16+$0x0] =	vst.idx.msk $0xffff, v12  }
0x107: {  	v12 =	vadd.s32 v0, v21;
	v26 =	vand.u32 $0xFE, v16;
	v15 =	vmul.f32 $8.000000000e+00, v19;
	v16 =	vld [tilespmem:s21+$0xFFFFFFE0];
	[tilespmem:v17+s16+$0x0] =	vst.idx.msk $0xffff, v11  }
0x108: {  	v11 =	vadd.s32 v0, v26;
	v17 =	vld [tilespmem:s21+$0x20];
	v18 =	vmul.f32 $8.000000000e+00, v18;
	[tilespmem:v20+s16+$0x0] =	vst.idx.msk $0xffff, v14  }
0x109: {  	v19 =	vadd.s32 v2, v6;
	v14 =	vmul.f32 $8.000000000e+00, v23;
	[tilespmem:v25+s16+$0x0] =	vst.idx.msk $0xffff, v15;
	v15 =	vld [tilespmem:s21+$0xFFFFFFA0]  }
0x10a: {  	v23 =	vadd.s32 v2, v7;
	v9 =	vmul.f32 $8.000000000e+00, v9;
	v20 =	vld [tilespmem:s22+$0x50];
	[tilespmem:v10+s16+$0x0] =	vst.idx.msk $0xffff, v18  }
0x10b: {  	[tilespmem:v13+s16+$0x0] =	vst.idx.msk $0xffff, v14;
	v10 =	vmul.f32 $8.000000000e+00, v24;
	v14 =	vadd.s32 v2, v8;
	v24 =	vld [tilespmem:s21+$0x70]  }
0x10c: {  	v27 =	vadd.s32 v1, v22;
	v25 =	vld [tilespmem:s22+$0xFFFFFF90];
	[tilespmem:v12+s16+$0x0] =	vst.idx.msk $0xffff, v9;
	v9 =	vmul.f32 $8.000000000e+00, v16  }
0x10d: {  	v29 =	vadd.s32 v3, v5;
	v5 =	vmov v22;
	v28 =	vld [tilespmem:s22+$0xFFFFFFD0];
	[tilespmem:v11+s16+$0x0] =	vst.idx.msk $0xffff, v10;
	v10 =	vmul.f32 $8.000000000e+00, v17  }
.Ltmp6:
0x10e: {  	v18 =	vadd.s32 v1, v4;
	v13 =	vld [tilespmem:s22+$0x10];
	v11 =	vmul.f32 $8.000000000e+00, v15;
	[tilespmem:v19+s16+$0x0] =	vst.idx.msk $0xffff, v9;
	(pc) =	sbr.rel @p0 .LBB2_13-.Ltmp6, $4  }
0x10f: {  	v16 =	vadd.s32 v1, v21;
	v15 =	vmul.f32 $8.000000000e+00, v20;
	v12 =	vld [tilespmem:s21+$0xFFFFFFF0];
	[tilespmem:v23+s16+$0x0] =	vst.idx.msk $0xffff, v10  }
0x110: {  	v9 =	vmov s24;
	v10 =	vadd.s32 v1, v26;
	[tilespmem:v14+s16+$0x0] =	vst.idx.msk $0xffff, v11;
	v11 =	vld [tilespmem:s21+$0x30];
	v23 =	vmul.f32 $8.000000000e+00, v24  }
0x111: {  	s25 =	sadd.s32 $0x3, s24;
	v9 =	vand.u32 $0xFC, v9;
	v20 =	vmul.f32 $8.000000000e+00, v25;
	[tilespmem:v27+s16+$0x0] =	vst.idx.msk $0xffff, v15;
	v14 =	vld [tilespmem:s21+$0xFFFFFFB0];
	v15 =	vadd.s32 v3, v6;
	v6 =	vmovc v21;
	s21 =	smov.u32 s22;
	s22 =	sadd.s32 $0x100, s22  }
0x112: {  	v22 =	vmov s25;
	v17 =	vadd.s32 v3, v7;
	v7 =	vmovc v26;
	s24 =	sadd.s32 $0x4, s24;
	v19 =	vld [tilespmem:s22+$0x40];
	v21 =	vmul.f32 $8.000000000e+00, v28;
	[tilespmem:v29+s16+$0x0] =	vst.idx.msk $0xffff, v23  }
0x113: {  	s24 =	sadd.s32 $0x1, s23;
	v22 =	vand.u32 $0xFF, v22;
	v28 =	vld [tilespmem:s22+$0xFFFFFF80]  }
0x114: {  	v24 =	vld [tilespmem:s22+$0xFFFFFFC0];
	v23 =	vmov s24;
	s24 =	sadd.s32 $0x2, s23;
	v25 =	vadd.s32 v0, v22  }
0x115: {  	v27 =	vld [tilespmem:s22+$0x0];
	v51 =	vadd.s32 v0, v9;
	v26 =	vmov s24;
	v23 =	vand.u32 $0xFD, v23  }
0x116: {  	v29 =	vadd.s32 v0, v23;
	v26 =	vand.u32 $0xFE, v26  }
0x117: {  	[tilespmem:v18+s16+$0x0] =	vst.idx.msk $0xffff, v20;
	v30 =	vadd.s32 v0, v26;
	v19 =	vmul.f32 $8.000000000e+00, v19  }
0x118: {  	[tilespmem:v16+s16+$0x0] =	vst.idx.msk $0xffff, v21;
	v54 =	vmul.f32 $8.000000000e+00, v28  }
0x119: {  	v52 =	vmul.f32 $8.000000000e+00, v24;
	[tilespmem:v25+s16+$0x0] =	vst.idx.msk $0xffff, v19  }
0x11a: {  	v53 =	vmul.f32 $8.000000000e+00, v27;
	v55 =	vld [tilespmem:s22+$0x50];
	[tilespmem:v51+s16+$0x0] =	vst.idx.msk $0xffff, v54  }
0x11b: {  	v13 =	vmul.f32 $8.000000000e+00, v13;
	v8 =	vadd.s32 v3, v8;
	[tilespmem:v29+s16+$0x0] =	vst.idx.msk $0xffff, v52;
	v59 =	vld [tilespmem:s22+$0xFFFFFF90]  }
0x11c: {  	v12 =	vmul.f32 $8.000000000e+00, v12;
	v57 =	vadd.s32 v1, v22;
	v56 =	vld [tilespmem:s22+$0xFFFFFFD0];
	[tilespmem:v30+s16+$0x0] =	vst.idx.msk $0xffff, v53  }
0x11d: {  	[tilespmem:v10+s16+$0x0] =	vst.idx.msk $0xffff, v13;
	v58 =	vmul.f32 $8.000000000e+00, v11;
	v28 =	vadd.s32 v1, v9;
	v19 =	vld [tilespmem:s22+$0x10]  }
0x11e: {  	v61 =	vld [tilespmem:s21+$0x60];
	v60 =	vadd.s32 v1, v23;
	v14 =	vmul.f32 $8.000000000e+00, v14;
	[tilespmem:v15+s16+$0x0] =	vst.idx.msk $0xffff, v12  }
0x11f: {  	v32 =	vld [tilespmem:s21+$0xFFFFFFA0];
	v62 =	vadd.s32 v1, v26;
	[tilespmem:v17+s16+$0x0] =	vst.idx.msk $0xffff, v58;
	v16 =	vmul.f32 $8.000000000e+00, v55  }
0x120: {  	[tilespmem:v8+s16+$0x0] =	vst.idx.msk $0xffff, v14;
	v29 =	vadd.s32 v2, v5;
	v30 =	vld [tilespmem:s21+$0x20];
	v11 =	vmul.f32 $8.000000000e+00, v59  }
0x121: {  	v38 =	vadd.s32 v2, v4;
	v63 =	vld [tilespmem:s21+$0xFFFFFFE0];
	v31 =	vmul.f32 $8.000000000e+00, v56;
	[tilespmem:v57+s16+$0x0] =	vst.idx.msk $0xffff, v16  }
0x122: {  	v35 =	vadd.s32 v2, v7;
	v34 =	vmul.f32 $8.000000000e+00, v19;
	v36 =	vld [tilespmem:s22+$0x60];
	[tilespmem:v28+s16+$0x0] =	vst.idx.msk $0xffff, v11  }
0x123: {  	v33 =	vadd.s32 v2, v6;
	v37 =	vmul.f32 $8.000000000e+00, v61;
	[tilespmem:v60+s16+$0x0] =	vst.idx.msk $0xffff, v31;
	v43 =	vld [tilespmem:s22+$0xFFFFFFA0]  }
0x124: {  	v40 =	vadd.s32 v2, v22;
	v14 =	vmul.f32 $8.000000000e+00, v32;
	[tilespmem:v62+s16+$0x0] =	vst.idx.msk $0xffff, v34;
	v39 =	vld [tilespmem:s22+$0xFFFFFFE0]  }
0x125: {  	v48 =	vadd.s32 v2, v9;
	[tilespmem:v29+s16+$0x0] =	vst.idx.msk $0xffff, v37;
	v42 =	vmul.f32 $8.000000000e+00, v30;
	v41 =	vld [tilespmem:s22+$0x20]  }
0x126: {  	v44 =	vadd.s32 v2, v23;
	v15 =	vmul.f32 $8.000000000e+00, v63;
	[tilespmem:v38+s16+$0x0] =	vst.idx.msk $0xffff, v14;
	v45 =	vld [tilespmem:s21+$0x70]  }
0x127: {  	v46 =	vadd.s32 v2, v26;
	v14 =	vld [tilespmem:s21+$0xFFFFFFB0];
	[tilespmem:v35+s16+$0x0] =	vst.idx.msk $0xffff, v42;
	v47 =	vmul.f32 $8.000000000e+00, v36  }
0x128: {  	v5 =	vadd.s32 v3, v5;
	[tilespmem:v33+s16+$0x0] =	vst.idx.msk $0xffff, v15;
	v49 =	vld [tilespmem:s21+$0x30];
	v53 =	vmul.f32 $8.000000000e+00, v43  }
0x129: {  	v4 =	vadd.s32 v3, v4;
	v21 =	vld [tilespmem:s21+$0xFFFFFFF0];
	v12 =	vmul.f32 $8.000000000e+00, v39;
	[tilespmem:v40+s16+$0x0] =	vst.idx.msk $0xffff, v47  }
0x12a: {  	v52 =	vadd.s32 v3, v7;
	v51 =	vmul.f32 $8.000000000e+00, v41;
	v10 =	vld [tilespmem:s22+$0x70];
	[tilespmem:v48+s16+$0x0] =	vst.idx.msk $0xffff, v53  }
0x12b: {  	v50 =	vadd.s32 v3, v6;
	v54 =	vmul.f32 $8.000000000e+00, v45;
	[tilespmem:v44+s16+$0x0] =	vst.idx.msk $0xffff, v12;
	v59 =	vld [tilespmem:s22+$0xFFFFFFB0]  }
0x12c: {  	v57 =	vadd.s32 v3, v22;
	v14 =	vmul.f32 $8.000000000e+00, v14;
	v55 =	vld [tilespmem:s22+$0xFFFFFFF0];
	[tilespmem:v46+s16+$0x0] =	vst.idx.msk $0xffff, v51  }
0x12d: {  	v62 =	vadd.s32 v3, v9;
	[tilespmem:v5+s16+$0x0] =	vst.idx.msk $0xffff, v54;
	v5 =	vmul.f32 $8.000000000e+00, v49;
	v58 =	vld [tilespmem:s22+$0x30]  }
0x12e: {  	v56 =	vmul.f32 $8.000000000e+00, v21;
	v60 =	vadd.s32 v3, v23;
	[tilespmem:v4+s16+$0x0] =	vst.idx.msk $0xffff, v14  }
0x12f: {  	s20 =	sadd.s32 s5, s20;
	v61 =	vadd.s32 v3, v26;
	[tilespmem:v52+s16+$0x0] =	vst.idx.msk $0xffff, v5;
	v5 =	vmul.f32 $8.000000000e+00, v10  }
0x130: {  	s25 =	sshll.u32 s20, $0xB;
	s20 =	sshll.u32 s20, $0xE;
	[tilespmem:v50+s16+$0x0] =	vst.idx.msk $0xffff, v56;
	v63 =	vmul.f32 $8.000000000e+00, v59  }
0x131: {  	s20 =	sand.u32 $0x7FFC0000, s20;
	s21 =	sand.u32 $0x7800, s25;
	v4 =	vmul.f32 $8.000000000e+00, v55;
	[tilespmem:v57+s16+$0x0] =	vst.idx.msk $0xffff, v5  }
0x132: {  	s20 =	sor.u32 s21, s20;
	v5 =	vmul.f32 $8.000000000e+00, v58;
	[tilespmem:v62+s16+$0x0] =	vst.idx.msk $0xffff, v63  }
0x133: {  	s20 =	sshrl.u32 s20, $0x3;
	[tilespmem:v60+s16+$0x0] =	vst.idx.msk $0xffff, v4  }
0x134: {  	s26 =	simm.s32 $0x12600;
	s22 =	sadd.s32 s2, s20;
	[tilespmem:v61+s16+$0x0] =	vst.idx.msk $0xffff, v5  }
0x135: {  	[hbm4b:s22+s3] =	stream.linear.scatter [tilespmem:s26], [sflag:$0x4], $0x80, $0x38;
	[tilespmem:$0x16800] =	vst v63  }
0x136: {  	s28 =	simm.s32 $0x12708;
	s29 =	sadd.s32 $0x10, s22  }
0x137: {  	[hbm4b:s29+s3] =	stream.linear.scatter [tilespmem:s28], [sflag:$0x4], $0x80, $0x38;
	[tilespmem:$0x16800] =	vst v63  }
0x138: {  	s30 =	simm.s32 $0x12810;
	s23 =	simm.s32 $0x12918;
	s31 =	sadd.s32 $0x20, s22  }
0x139: {  	[hbm4b:s31+s3] =	stream.linear.scatter [tilespmem:s30], [sflag:$0x4], $0x80, $0x38;
	[tilespmem:$0x16800] =	vst v63  }
0x13a: {  	s25 =	simm.s32 $0x12A20;
	s21 =	simm.s32 $0x840;
	s24 =	sadd.s32 $0x30, s22  }
0x13b: {  	[hbm4b:s24+s3] =	stream.linear.scatter [tilespmem:s23], [sflag:$0x4], $0x80, $0x38;
	[tilespmem:$0x16800] =	vst v63  }
0x13c: {  	s26 =	sadd.s32 $0x40, s22;
	s28 =	simm.s32 $0x12B28;
	s29 =	sadd.s32 $0x50, s22  }
0x13d: {  	[hbm4b:s26+s3] =	stream.linear.scatter [tilespmem:s25], [sflag:$0x4], $0x80, $0x38;
	[tilespmem:$0x16800] =	vst v63  }
0x13e: {  	s30 =	simm.s32 $0x12C30;
	s31 =	sadd.s32 $0x60, s22;
	s23 =	simm.s32 $0x4200  }
0x13f: {  	[hbm4b:s29+s3] =	stream.linear.scatter [tilespmem:s28], [sflag:$0x4], $0x80, $0x38;
	[tilespmem:$0x16800] =	vst v63  }
0x140: {  	s24 =	simm.s32 $0x12D38;
	s25 =	sadd.s32 $0x70, s22;
	s22 =	sadd.s32 $0x1000, s22  }
0x141: {  	[hbm4b:s31+s3] =	stream.linear.scatter [tilespmem:s30], [sflag:$0x4], $0x80, $0x38;
	[tilespmem:$0x16800] =	vst v63  }
.LBB2_15:
0x142: {  	[hbm4b:s25+s3] =	stream.linear.scatter [tilespmem:s24], [sflag:$0x4], $0x80, $0x38;
	[tilespmem:$0x16800] =	vst v63  }
0x143: {  	s24 =	smov.u32 s21;
	s21 =	smov.u32 s23  }
0x144: {  	s26 =	sadd.s32 $0x2100, s23;
	s21 =	sshra.s32 s21, $0x2;
	s25 =	sadd.s32 $0x12600, s24  }
0x145: {  	[hbm4b:s22+s3] =	stream.linear.scatter [tilespmem:s25], [sflag:$0x4], $0x80, $0x38;
	[tilespmem:$0x16800] =	vst v63  }
0x146: {  	p0 =	sne.s32 s23, $0xE700;
	s23 =	sadd.s32 $0x12708, s24;
	s25 =	sadd.s32 $0x10, s22  }
0x147: {  	[hbm4b:s25+s3] =	stream.linear.scatter [tilespmem:s23], [sflag:$0x4], $0x80, $0x38;
	[tilespmem:$0x16800] =	vst v63  }
0x148: {  	s23 =	sadd.s32 $0x12810, s24;
	s25 =	sadd.s32 $0x20, s22  }
0x149: {  	[hbm4b:s25+s3] =	stream.linear.scatter [tilespmem:s23], [sflag:$0x4], $0x80, $0x38;
	[tilespmem:$0x16800] =	vst v63  }
0x14a: {  	s23 =	sadd.s32 $0x12918, s24;
	s25 =	sadd.s32 $0x30, s22  }
0x14b: {  	[hbm4b:s25+s3] =	stream.linear.scatter [tilespmem:s23], [sflag:$0x4], $0x80, $0x38;
	[tilespmem:$0x16800] =	vst v63  }
0x14c: {  	s23 =	sadd.s32 $0x12A20, s24;
	s25 =	sadd.s32 $0x40, s22  }
0x14d: {  	[hbm4b:s25+s3] =	stream.linear.scatter [tilespmem:s23], [sflag:$0x4], $0x80, $0x38;
	[tilespmem:$0x16800] =	vst v63  }
.Ltmp7:
0x14e: {  	s23 =	sadd.s32 $0x12B28, s24;
	s25 =	sadd.s32 $0x50, s22;
	(pc) =	sbr.rel @p0 .LBB2_15-.Ltmp7, $4  }
0x14f: {  	[hbm4b:s25+s3] =	stream.linear.scatter [tilespmem:s23], [sflag:$0x4], $0x80, $0x38;
	[tilespmem:$0x16800] =	vst v63  }
0x150: {  	s23 =	sadd.s32 $0x12C30, s24;
	s25 =	sadd.s32 $0x60, s22;
	s24 =	sadd.s32 $0x12D38, s24  }
0x151: {  	[hbm4b:s25+s3] =	stream.linear.scatter [tilespmem:s23], [sflag:$0x4], $0x80, $0x38;
	[tilespmem:$0x16800] =	vst v63  }
0x152: {  	s25 =	sadd.s32 $0x70, s22;
	s22 =	sadd.s32 $0x1000, s22;
	s23 =	smov.u32 s26  }
0x153: {  	[hbm4b:s25+s3] =	stream.linear.scatter [tilespmem:s24], [sflag:$0x4], $0x80, $0x38;
	[tilespmem:$0x16800] =	vst v63  }
0x154: {  	s23 =	sadd.s32 $0x12600, s21  }
0x155: {  	[hbm4b:s22+s3] =	stream.linear.scatter [tilespmem:s23], [sflag:$0x4], $0x80, $0x38;
	[tilespmem:$0x16800] =	vst v63  }
0x156: {  	s25 =	sadd.s32 $0x12708, s21;
	s26 =	sadd.s32 $0x10, s22  }
0x157: {  	[hbm4b:s26+s3] =	stream.linear.scatter [tilespmem:s25], [sflag:$0x4], $0x80, $0x38;
	[tilespmem:$0x16800] =	vst v63  }
0x158: {  	s28 =	sadd.s32 $0x12810, s21;
	s29 =	sadd.s32 $0x20, s22  }
0x159: {  	[hbm4b:s29+s3] =	stream.linear.scatter [tilespmem:s28], [sflag:$0x4], $0x80, $0x38;
	[tilespmem:$0x16800] =	vst v63  }
0x15a: {  	s30 =	sadd.s32 $0x12918, s21;
	s31 =	sadd.s32 $0x30, s22  }
0x15b: {  	[hbm4b:s31+s3] =	stream.linear.scatter [tilespmem:s30], [sflag:$0x4], $0x80, $0x38;
	[tilespmem:$0x16800] =	vst v63  }
0x15c: {  	s25 =	sadd.s32 $0x12A20, s21;
	s26 =	sadd.s32 $0x40, s22  }
0x15d: {  	[hbm4b:s26+s3] =	stream.linear.scatter [tilespmem:s25], [sflag:$0x4], $0x80, $0x38;
	[tilespmem:$0x16800] =	vst v63  }
0x15e: {  	s28 =	sadd.s32 $0x12B28, s21;
	s29 =	sadd.s32 $0x50, s22  }
0x15f: {  	[hbm4b:s29+s3] =	stream.linear.scatter [tilespmem:s28], [sflag:$0x4], $0x80, $0x38;
	[tilespmem:$0x16800] =	vst v63  }
0x160: {  	s30 =	sadd.s32 $0x12C30, s21;
	s31 =	sadd.s32 $0x60, s22  }
0x161: {  	[hbm4b:s31+s3] =	stream.linear.scatter [tilespmem:s30], [sflag:$0x4], $0x80, $0x38;
	[tilespmem:$0x16800] =	vst v63  }
0x162: {  	s24 =	sadd.s32 $0x12D38, s21;
	s20 =	sadd.s32 s20, s2;
	s25 =	sadd.s32 $0x70, s22  }
0x163: {  	[hbm4b:s25+s3] =	stream.linear.scatter [tilespmem:s24], [sflag:$0x4], $0x80, $0x38;
	[tilespmem:$0x16800] =	vst v63  }
0x164: {  	s21 =	sadd.s32 $0x80, s20;
	s26 =	simm.s32 $0x12680  }
0x165: {  	[hbm4b:s21+s3] =	stream.linear.scatter [tilespmem:s26], [sflag:$0x4], $0x80, $0x38;
	[tilespmem:$0x16800] =	vst v63  }
0x166: {  	s28 =	simm.s32 $0x12788;
	s29 =	sadd.s32 $0x10, s21  }
0x167: {  	[hbm4b:s29+s3] =	stream.linear.scatter [tilespmem:s28], [sflag:$0x4], $0x80, $0x38;
	[tilespmem:$0x16800] =	vst v63  }
0x168: {  	s23 =	simm.s32 $0x12998;
	s30 =	simm.s32 $0x12890;
	s31 =	sadd.s32 $0x20, s21  }
0x169: {  	[hbm4b:s31+s3] =	stream.linear.scatter [tilespmem:s30], [sflag:$0x4], $0x80, $0x38;
	[tilespmem:$0x16800] =	vst v63  }
0x16a: {  	s20 =	simm.s32 $0x840;
	s22 =	simm.s32 $0x4200;
	s24 =	sadd.s32 $0x30, s21  }
0x16b: {  	[hbm4b:s24+s3] =	stream.linear.scatter [tilespmem:s23], [sflag:$0x4], $0x80, $0x38;
	[tilespmem:$0x16800] =	vst v63  }
0x16c: {  	s25 =	simm.s32 $0x12AA0;
	s26 =	sadd.s32 $0x40, s21;
	s28 =	simm.s32 $0x12BA8  }
0x16d: {  	[hbm4b:s26+s3] =	stream.linear.scatter [tilespmem:s25], [sflag:$0x4], $0x80, $0x38;
	[tilespmem:$0x16800] =	vst v63  }
0x16e: {  	s29 =	sadd.s32 $0x50, s21;
	s30 =	simm.s32 $0x12CB0;
	s31 =	sadd.s32 $0x60, s21  }
0x16f: {  	[hbm4b:s29+s3] =	stream.linear.scatter [tilespmem:s28], [sflag:$0x4], $0x80, $0x38;
	[tilespmem:$0x16800] =	vst v63  }
0x170: {  	s23 =	simm.s32 $0x12DB8;
	s24 =	sadd.s32 $0x70, s21;
	s21 =	sadd.s32 $0x1000, s21  }
0x171: {  	[hbm4b:s31+s3] =	stream.linear.scatter [tilespmem:s30], [sflag:$0x4], $0x80, $0x38;
	[tilespmem:$0x16800] =	vst v63  }
.LBB2_17:
0x172: {  	[hbm4b:s24+s3] =	stream.linear.scatter [tilespmem:s23], [sflag:$0x4], $0x80, $0x38;
	[tilespmem:$0x16800] =	vst v63  }
0x173: {  	s23 =	smov.u32 s20;
	s20 =	smov.u32 s22  }
0x174: {  	s25 =	sadd.s32 $0x2100, s22;
	s20 =	sshra.s32 s20, $0x2;
	s24 =	sadd.s32 $0x12680, s23  }
0x175: {  	[hbm4b:s21+s3] =	stream.linear.scatter [tilespmem:s24], [sflag:$0x4], $0x80, $0x38;
	[tilespmem:$0x16800] =	vst v63  }
0x176: {  	p0 =	sne.s32 s22, $0xE700;
	s22 =	sadd.s32 $0x12788, s23;
	s24 =	sadd.s32 $0x10, s21  }
0x177: {  	[hbm4b:s24+s3] =	stream.linear.scatter [tilespmem:s22], [sflag:$0x4], $0x80, $0x38;
	[tilespmem:$0x16800] =	vst v63  }
0x178: {  	s22 =	sadd.s32 $0x12890, s23;
	s24 =	sadd.s32 $0x20, s21  }
0x179: {  	[hbm4b:s24+s3] =	stream.linear.scatter [tilespmem:s22], [sflag:$0x4], $0x80, $0x38;
	[tilespmem:$0x16800] =	vst v63  }
0x17a: {  	s22 =	sadd.s32 $0x12998, s23;
	s24 =	sadd.s32 $0x30, s21  }
0x17b: {  	[hbm4b:s24+s3] =	stream.linear.scatter [tilespmem:s22], [sflag:$0x4], $0x80, $0x38;
	[tilespmem:$0x16800] =	vst v63  }
0x17c: {  	s22 =	sadd.s32 $0x12AA0, s23;
	s24 =	sadd.s32 $0x40, s21  }
0x17d: {  	[hbm4b:s24+s3] =	stream.linear.scatter [tilespmem:s22], [sflag:$0x4], $0x80, $0x38;
	[tilespmem:$0x16800] =	vst v63  }
.Ltmp8:
0x17e: {  	s22 =	sadd.s32 $0x12BA8, s23;
	s24 =	sadd.s32 $0x50, s21;
	(pc) =	sbr.rel @p0 .LBB2_17-.Ltmp8, $4  }
0x17f: {  	[hbm4b:s24+s3] =	stream.linear.scatter [tilespmem:s22], [sflag:$0x4], $0x80, $0x38;
	[tilespmem:$0x16800] =	vst v63  }
0x180: {  	s22 =	sadd.s32 $0x12CB0, s23;
	s24 =	sadd.s32 $0x60, s21;
	s23 =	sadd.s32 $0x12DB8, s23  }
0x181: {  	[hbm4b:s24+s3] =	stream.linear.scatter [tilespmem:s22], [sflag:$0x4], $0x80, $0x38;
	[tilespmem:$0x16800] =	vst v63  }
0x182: {  	s24 =	sadd.s32 $0x70, s21;
	s21 =	sadd.s32 $0x1000, s21;
	s22 =	smov.u32 s25  }
0x183: {  	[hbm4b:s24+s3] =	stream.linear.scatter [tilespmem:s23], [sflag:$0x4], $0x80, $0x38;
	[tilespmem:$0x16800] =	vst v63  }
0x184: {  	s22 =	sadd.s32 $0x12680, s20  }
0x185: {  	[hbm4b:s21+s3] =	stream.linear.scatter [tilespmem:s22], [sflag:$0x4], $0x80, $0x38;
	[tilespmem:$0x16800] =	vst v63  }
0x186: {  	s25 =	sadd.s32 $0x12788, s20;
	s26 =	sadd.s32 $0x10, s21  }
0x187: {  	[hbm4b:s26+s3] =	stream.linear.scatter [tilespmem:s25], [sflag:$0x4], $0x80, $0x38;
	[tilespmem:$0x16800] =	vst v63  }
0x188: {  	s28 =	sadd.s32 $0x12890, s20;
	s29 =	sadd.s32 $0x20, s21  }
0x189: {  	[hbm4b:s29+s3] =	stream.linear.scatter [tilespmem:s28], [sflag:$0x4], $0x80, $0x38;
	[tilespmem:$0x16800] =	vst v63  }
0x18a: {  	s30 =	sadd.s32 $0x12998, s20;
	s31 =	sadd.s32 $0x30, s21  }
0x18b: {  	[hbm4b:s31+s3] =	stream.linear.scatter [tilespmem:s30], [sflag:$0x4], $0x80, $0x38;
	[tilespmem:$0x16800] =	vst v63  }
0x18c: {  	s23 =	sadd.s32 $0x12AA0, s20;
	s24 =	sadd.s32 $0x40, s21;
	s19 =	sadd.s32 $0x1, s19  }
0x18d: {  	[hbm4b:s24+s3] =	stream.linear.scatter [tilespmem:s23], [sflag:$0x4], $0x80, $0x38;
	[tilespmem:$0x16800] =	vst v63  }
0x18e: {  	p0 =	sne.s32 s19, $0x32;
	s25 =	sadd.s32 $0x12BA8, s20;
	s26 =	sadd.s32 $0x50, s21  }
0x18f: {  	[hbm4b:s26+s3] =	stream.linear.scatter [tilespmem:s25], [sflag:$0x4], $0x80, $0x38;
	[tilespmem:$0x16800] =	vst v63  }
.Ltmp9:
0x190: {  	_ = 	snop;
	(pc) =	sbr.rel @p0 .LBB2_2-.Ltmp9, $4  }
0x191: {  	s28 =	sadd.s32 $0x12CB0, s20;
	s29 =	sadd.s32 $0x60, s21  }
0x192: {  	[hbm4b:s29+s3] =	stream.linear.scatter [tilespmem:s28], [sflag:$0x4], $0x80, $0x38;
	[tilespmem:$0x16800] =	vst v63  }
0x193: {  	s30 =	sadd.s32 $0x12DB8, s20;
	s31 =	sadd.s32 $0x70, s21  }
0x194: {  	[hbm4b:s31+s3] =	stream.linear.scatter [tilespmem:s30], [sflag:$0x4], $0x80, $0x38;
	[tilespmem:$0x16800] =	vst v63  }
0x195: {  	_ =	swait.ge [sflag:s17], $0x2000  }
0x196: {  	[sflag:s17] =	ssyncset.done $0x0  }
0x197: {  	[sflag:s17] =	ssyncadd.s32 $0xFFFFE000  }
0x198: {  	_ =	swait.ge [sflag:s17], $0x2000  }
0x199: {  	[sflag:s17] =	ssyncset.done $0x0  }
0x19a: {  	s18 =	sadd.s32 $0x1, s18;
	[sflag:s17] =	ssyncadd.s32 $0xFFFFE000  }
0x19b: {  	p0 =	sne.s32 s18, s7;
	_ =	swait.ge [sflag:s15], $0x2000  }
.Ltmp10:
0x19c: {  	[sflag:s15] =	ssyncset.done $0x0;
	(pc) =	sbr.rel @p0 .LBB2_1-.Ltmp10, $4  }
0x19d: {  	[sflag:s15] =	ssyncadd.s32 $0xFFFFE000  }
0x19e: {  	_ =	swait.ge [sflag:s15], $0x2000  }
0x19f: {  	[sflag:s15] =	ssyncset.done $0x0  }
0x1a0: {  	[sflag:s15] =	ssyncadd.s32 $0xFFFFE000  }
0x1a1: {  	_ =	sfence.sel $0x180000  }
0x1a2: {  	[bflag:$0x0] =	sbarrier.arrive $0xFFFF  }
0x1a3: {  	p0 =	sne.s32 s0, $0x0;
	_ =	strace $0x90000047  }
0x1a4: {  	s0 =	sadd.s32 @!p0 $0x100000, s1;
	[bflag:$0x2] =	sbarrier.arrive $0xFFFF  }
0x1a5: {  	[sflag:s0] =	ssyncadd.tile.s32 @!p0 $0x1;
	_ =	shalt  }
.Lfunc_end2:
_tile_overlayer_lowered:
.L_overlay_start_2:
0x1a6: {  	(tag) =	ssettag $0x2  }
0x1a7: {  	s0 =	rddreg [dreg:$0x0];
	s2 =	stileid.u32  }
0x1a8: {  	s1 =	rddreg [dreg:$0x1];
	p0 =	sne.s32 s2, $0x0  }
0x1a9: {  	s3 =	rddreg [dreg:$0x2];
	[bflag:$0x3] =	sbarrier.arrive $0xFFFF;
	s2 =	simm.s32 @!p0 $0x1C05  }
0x1aa: {  	[timem:s3], [sflag:s2] =	dma.local @!p0 [hbm:s0], s1  }
0x1ab: {  	s0 =	simm.s32 @!p0 $0x5  }
0x1ac: {  	_ =	swait.ge @!p0 [sflag:s0], s1  }
0x1ad: {  	s1 =	ssub.s32 @!p0 $0x0, s1;
	[sflag:s0] =	ssyncset.done @!p0 $0x0  }
0x1ae: {  	[sflag:s0] =	ssyncadd.s32 @!p0 s1  }
0x1af: {  	[bflag:$0x3] =	sbarrier.arrive $0xFFFF  }
0x1b0: {  	_ =	shalt  }

</sc_bundles>
